<compile_context>
chip_gen: v7x
topology: tpu7x:2x2x1
jax: 0.10.2.dev20260603
libtpu: 0.0.44.dev20260713+nightly
codegen_flags: <defaults>
</compile_context>

<pallas_src>
import functools

import jax
import jax.numpy as jnp
from jax import lax
from jax.experimental import pallas as pl
from jax.experimental.pallas import tpu as pltpu
from jax.experimental.pallas import tpu_sc as plsc

NC = 2
NS = 16
NW = NC * NS
EB = 128
ZR = 64


def _deg_body(npad, nb, dst_hbm, zeros_hbm, ones_hbm, out_hbm,
              dslab, ones_v, zbuf, deg_sh):
  c = lax.axis_index("c")
  s = lax.axis_index("s")
  wid = s * NC + c
  chunk = npad // NS
  pltpu.sync_copy(zeros_hbm, zbuf)
  pltpu.sync_copy(ones_hbm, ones_v)
  pltpu.sync_copy(dst_hbm.at[pl.ds(wid * nb, nb)], dslab)
  pltpu.sync_copy(zbuf, deg_sh.at[pl.ds(s * chunk, chunk)])
  plsc.subcore_barrier()

  def body(j, carry):
    pltpu.sync_copy(ones_v, deg_sh.at[dslab.at[j]], add=True)
    return carry

  lax.fori_loop(0, nb, body, 0)
  plsc.subcore_barrier()
  pltpu.sync_copy(deg_sh.at[pl.ds(s * chunk, chunk)],
                  out_hbm.at[c, pl.ds(s * chunk, chunk)])


def _agg_body(npad, nb, d, g_hbm, src_hbm, dst_hbm, zrows_hbm, out_hbm,
              sslab, didx0, didx1, rows0, rows1, s_sh,
              isem0, isem1, gsem0, gsem1):
  c = lax.axis_index("c")
  s = lax.axis_index("s")
  wid = s * NC + c
  base = wid * nb
  chunk = npad // NS
  pltpu.sync_copy(zrows_hbm, rows0)
  pltpu.sync_copy(src_hbm.at[pl.ds(base, nb)], sslab)

  def zero(i, carry):
    pltpu.sync_copy(rows0, s_sh.at[pl.ds(s * chunk + i * EB, EB)])
    return carry

  lax.fori_loop(0, chunk // EB, zero, 0)
  plsc.subcore_barrier()

  pltpu.async_copy(dst_hbm.at[base], didx0, isem0)
  pltpu.async_copy(dst_hbm.at[base + 1], didx1, isem1)
  pltpu.async_copy(g_hbm.at[sslab.at[0]], rows0, gsem0)

  def body(i, carry):
    j0 = 2 * i
    pltpu.async_copy(g_hbm.at[sslab.at[j0 + 1]], rows1, gsem1)
    pltpu.make_async_copy(g_hbm.at[sslab.at[j0]], rows0, gsem0).wait()
    pltpu.make_async_copy(dst_hbm.at[base + j0], didx0, isem0).wait()
    pltpu.sync_copy(rows0, s_sh.at[didx0], add=True)

    @pl.when(j0 + 2 < nb)
    def _():
      pltpu.async_copy(dst_hbm.at[base + j0 + 2], didx0, isem0)
      pltpu.async_copy(g_hbm.at[sslab.at[j0 + 2]], rows0, gsem0)

    pltpu.make_async_copy(g_hbm.at[sslab.at[j0 + 1]], rows1, gsem1).wait()
    pltpu.make_async_copy(dst_hbm.at[base + j0 + 1], didx1, isem1).wait()
    pltpu.sync_copy(rows1, s_sh.at[didx1], add=True)

    @pl.when(j0 + 3 < nb)
    def _():
      pltpu.async_copy(dst_hbm.at[base + j0 + 3], didx1, isem1)

    return carry

  lax.fori_loop(0, nb // 2, body, 0)
  plsc.subcore_barrier()

  def writeback(i, carry):
    pltpu.sync_copy(s_sh.at[pl.ds(s * chunk + i * ZR, ZR)],
                    out_hbm.at[c, pl.ds(s * chunk + i * ZR, ZR)])
    return carry

  lax.fori_loop(0, chunk // ZR, writeback, 0)


def _scale_body(x_ref, w_ref, pdt_ref, g_ref):
  h = jnp.dot(x_ref[...], w_ref[...], preferred_element_type=jnp.float32)
  deg = pdt_ref[:, 0:1] + pdt_ref[:, 1:2] + 1.0
  dinv = lax.rsqrt(deg)
  g_ref[...] = h * dinv


def _head_body(n, sp_ref, g_ref, pdt_ref, b_ref, wl_ref, bl_ref, o_ref):
  ssum = sp_ref[0, :n] + sp_ref[1, :n] + g_ref[...]
  deg = pdt_ref[:, 0:1] + pdt_ref[:, 1:2] + 1.0
  dinv = lax.rsqrt(deg)
  agg = ssum * dinv + b_ref[...]
  r = jnp.maximum(agg, 0.0)
  z = jnp.dot(r, wl_ref[...], preferred_element_type=jnp.float32) + bl_ref[...]
  o_ref[...] = jax.nn.sigmoid(z)


@jax.jit
def kernel(x, edge_index, W, b, w_lin, b_lin):
  n, d = x.shape
  e = edge_index.shape[1]
  nb = -(-e // (NW * EB))
  nb = -(-nb // 8) * 8
  epad = NW * EB * nb
  chunk = -(-n // NS)
  chunk = -(-chunk // EB) * EB
  npad = NS * chunk
  if npad == n:
    npad += NS * EB
    chunk = npad // NS

  src = edge_index[0]
  dst = edge_index[1]
  pad = epad - e
  srcp = jnp.concatenate([src, jnp.zeros((pad,), jnp.int32)])
  dstp = jnp.concatenate([dst, jnp.full((pad,), n, jnp.int32)])
  src2 = srcp.reshape(epad // EB, EB)
  dst2 = dstp.reshape(epad // EB, EB)
  zeros1 = jnp.zeros((chunk,), jnp.float32)
  ones1 = jnp.ones((EB,), jnp.float32)
  zrows = jnp.zeros((EB, d), jnp.float32)

  mesh = plsc.VectorSubcoreMesh(core_axis_name="c", subcore_axis_name="s",
                                num_cores=NC, num_subcores=NS)

  deg_call = pl.kernel(
      functools.partial(_deg_body, npad, nb),
      out_type=jax.ShapeDtypeStruct((NC, npad), jnp.float32),
      mesh=mesh,
      scratch_types=[
          pltpu.VMEM((nb, EB), jnp.int32),
          pltpu.VMEM((EB,), jnp.float32),
          pltpu.VMEM((chunk,), jnp.float32),
          pltpu.VMEM_SHARED((npad,), jnp.float32),
      ],
  )
  pdeg = deg_call(dst2, zeros1, ones1)
  pdt = pdeg[:, :n].T

  g = pl.pallas_call(
      _scale_body,
      out_shape=jax.ShapeDtypeStruct((n, d), jnp.float32),
  )(x, W, pdt)

  agg_call = pl.kernel(
      functools.partial(_agg_body, npad, nb, d),
      out_type=jax.ShapeDtypeStruct((NC, npad, d), jnp.float32),
      mesh=mesh,
      scratch_types=[
          pltpu.VMEM((nb, EB), jnp.int32),
          pltpu.VMEM((EB,), jnp.int32),
          pltpu.VMEM((EB,), jnp.int32),
          pltpu.VMEM((EB, d), jnp.float32),
          pltpu.VMEM((EB, d), jnp.float32),
          pltpu.VMEM_SHARED((npad, d), jnp.float32),
          pltpu.SemaphoreType.DMA,
          pltpu.SemaphoreType.DMA,
          pltpu.SemaphoreType.DMA,
          pltpu.SemaphoreType.DMA,
      ],
  )
  sp = agg_call(g, src2, dst2, zrows)

  out = pl.pallas_call(
      functools.partial(_head_body, n),
      out_shape=jax.ShapeDtypeStruct((n, 1), jnp.float32),
  )(sp, g, pdt, b.reshape(1, d), w_lin, b_lin.reshape(1, 1))
  return out

# --- scband reference (transcript-rebuilt; emitter-appended) ---
"""Pipeline reference for scband-gcnclassifier-64381559767288 (READ-ONLY COPY).

The authoritative reference and input builder live on the scoring server;
editing this copy changes nothing except your own understanding.
"""

import jax, jax.numpy as jnp
import numpy as np

N = 10000
E = 320000
D = 128

def setup_inputs(seed: int = 0) -> dict:
    key = jax.random.key(seed)
    k1, k2, k3, k4, k5, k6 = jax.random.split(key, 6)
    x = jax.random.normal(k1, (N, D), dtype=jnp.float32)
    edge_index = jax.random.randint(k2, (2, E), 0, N, dtype=jnp.int32)
    # GCNConv params: lin weight [in, out] (no bias in lin), bias added after aggregation
    W = jax.random.normal(k3, (D, D), dtype=jnp.float32) * (1.0 / np.sqrt(D))
    b = jax.random.normal(k4, (D,), dtype=jnp.float32) * 0.01
    # final classifier Linear(D, 1)
    w_lin = jax.random.normal(k5, (D, 1), dtype=jnp.float32) * (1.0 / np.sqrt(D))
    b_lin = jax.random.normal(k6, (1,), dtype=jnp.float32) * 0.01
    return {"x": x, "edge_index": edge_index, "W": W, "b": b, "w_lin": w_lin, "b_lin": b_lin}

def reference(x, edge_index, W, b, w_lin, b_lin):
    # PyG GCNConv: add self-loops, symmetric normalization, linear, scatter-add aggregate
    src = edge_index[0]
    dst = edge_index[1]
    loop = jnp.arange(N, dtype=src.dtype)
    src = jnp.concatenate([src, loop])
    dst = jnp.concatenate([dst, loop])
    ones = jnp.ones(src.shape[0], dtype=x.dtype)
    deg = jax.ops.segment_sum(ones, dst, num_segments=N)
    dinv = jnp.where(deg > 0, jax.lax.rsqrt(jnp.maximum(deg, 1e-12)), 0.0)
    norm = dinv[src] * dinv[dst]
    h = x @ W
    msg = jnp.take(h, src, axis=0) * norm[:, None]
    agg = jax.ops.segment_sum(msg, dst, num_segments=N) + b
    h_relu = jax.nn.relu(agg)
    out = jax.nn.sigmoid(h_relu @ w_lin + b_lin)
    return out

if __name__ == "__main__":
    import jax
    _d = setup_inputs()
    print(jax.jit(kernel)(*tuple(_d.values())))

</pallas_src>

<mosaic_0001>
#map = affine_map<(d0, d1) -> (0, 0)>
#map1 = affine_map<(d0, d1) -> (0)>
module attributes {stable_mosaic.version = 14 : i64} {
  func.func @_deg_body(%arg0: i32, %arg1: i32, %arg2: memref<2560x128xi32, #tpu.memory_space<hbm>>, %arg3: memref<640xf32, #tpu.memory_space<hbm>>, %arg4: memref<128xf32, #tpu.memory_space<hbm>>, %arg5: memref<2x10240xf32, #tpu.memory_space<hbm>>, %arg6: memref<80x128xi32, #tpu.memory_space<vmem>>, %arg7: memref<128xf32, #tpu.memory_space<vmem>>, %arg8: memref<640xf32, #tpu.memory_space<vmem>>, %arg9: memref<10240xf32, #tpu.memory_space<vmem_shared>>) attributes {dimension_semantics = [#tpu.dimension_semantics<core_parallel>, #tpu.dimension_semantics<subcore_parallel>], iteration_bounds = array<i64: 2, 16>, scalar_prefetch = 0 : i64, scratch_operands = 4 : i64, tpu.core_type = #tpu.core_type<sc_vector_subcore>, window_params = [{transform_indices = #map}, {transform_indices = #map1}, {transform_indices = #map1}, {transform_indices = #map}]} {
    %mul3A = arith.constant 2 : i32
    %mul3A_0 = arith.muli %arg1, %mul3A : i32
    %add3A = arith.addi %mul3A_0, %arg0 : i32
    "tpu.region"() ({
      %run_scoped3A = tpu.sem_alloc : memref<!tpu.dma_semaphore, #tpu.memory_space<semaphore_mem>>
      tpu.enqueue_dma source(%arg3 : memref<640xf32, #tpu.memory_space<hbm>>) target(%arg8 : memref<640xf32, #tpu.memory_space<vmem>>) target_semaphore(%run_scoped3A : memref<!tpu.dma_semaphore, #tpu.memory_space<semaphore_mem>>)
      tpu.wait_dma2 semaphore(%run_scoped3A : memref<!tpu.dma_semaphore, #tpu.memory_space<semaphore_mem>>) src(%arg3 : memref<640xf32, #tpu.memory_space<hbm>>) dst(%arg8 : memref<640xf32, #tpu.memory_space<vmem>>)
      tpu.yield
    }) : () -> ()
    "tpu.region"() ({
      %run_scoped3A = tpu.sem_alloc : memref<!tpu.dma_semaphore, #tpu.memory_space<semaphore_mem>>
      tpu.enqueue_dma source(%arg4 : memref<128xf32, #tpu.memory_space<hbm>>) target(%arg7 : memref<128xf32, #tpu.memory_space<vmem>>) target_semaphore(%run_scoped3A : memref<!tpu.dma_semaphore, #tpu.memory_space<semaphore_mem>>)
      tpu.wait_dma2 semaphore(%run_scoped3A : memref<!tpu.dma_semaphore, #tpu.memory_space<semaphore_mem>>) src(%arg4 : memref<128xf32, #tpu.memory_space<hbm>>) dst(%arg7 : memref<128xf32, #tpu.memory_space<vmem>>)
      tpu.yield
    }) : () -> ()
    %mul3A_1 = arith.constant 80 : i32
    %mul3A_2 = arith.muli %add3A, %mul3A_1 : i32
    "tpu.region"() ({
      %run_scoped3A = tpu.sem_alloc : memref<!tpu.dma_semaphore, #tpu.memory_space<semaphore_mem>>
      %dma_start3A = arith.constant 0 : i32
      %dma_start3A_15 = tpu.memref_slice %arg2[%mul3A_2, %dma_start3A] : memref<2560x128xi32, #tpu.memory_space<hbm>> -> memref<80x128xi32, #tpu.memory_space<hbm>>
      %dma_start3A_16 = arith.constant 0 : i32
      %dma_start3A_17 = tpu.memref_slice %arg2[%mul3A_2, %dma_start3A_16] : memref<2560x128xi32, #tpu.memory_space<hbm>> -> memref<80x128xi32, #tpu.memory_space<hbm>>
      tpu.enqueue_dma source(%dma_start3A_17 : memref<80x128xi32, #tpu.memory_space<hbm>>) target(%arg6 : memref<80x128xi32, #tpu.memory_space<vmem>>) target_semaphore(%run_scoped3A : memref<!tpu.dma_semaphore, #tpu.memory_space<semaphore_mem>>)
      %dma_wait3A = arith.constant 0 : i32
      %dma_wait3A_18 = tpu.memref_slice %arg2[%mul3A_2, %dma_wait3A] : memref<2560x128xi32, #tpu.memory_space<hbm>> -> memref<80x128xi32, #tpu.memory_space<hbm>>
      %dma_wait3A_19 = arith.constant 0 : i32
      %dma_wait3A_20 = tpu.memref_slice %arg2[%mul3A_2, %dma_wait3A_19] : memref<2560x128xi32, #tpu.memory_space<hbm>> -> memref<80x128xi32, #tpu.memory_space<hbm>>
      tpu.wait_dma2 semaphore(%run_scoped3A : memref<!tpu.dma_semaphore, #tpu.memory_space<semaphore_mem>>) src(%dma_wait3A_20 : memref<80x128xi32, #tpu.memory_space<hbm>>) dst(%arg6 : memref<80x128xi32, #tpu.memory_space<vmem>>)
      tpu.yield
    }) : () -> ()
    %mul3A_3 = arith.constant 640 : i32
    %mul3A_4 = arith.muli %arg1, %mul3A_3 : i32
    "tpu.region"() ({
      %run_scoped3A = tpu.sem_alloc : memref<!tpu.dma_semaphore, #tpu.memory_space<semaphore_mem>>
      %dma_start3A = tpu.memref_slice %arg9[%mul3A_4] : memref<10240xf32, #tpu.memory_space<vmem_shared>> -> memref<640xf32, #tpu.memory_space<vmem_shared>>
      %dma_start3A_15 = tpu.memref_slice %arg9[%mul3A_4] : memref<10240xf32, #tpu.memory_space<vmem_shared>> -> memref<640xf32, #tpu.memory_space<vmem_shared>>
      tpu.enqueue_dma source(%arg8 : memref<640xf32, #tpu.memory_space<vmem>>) target(%dma_start3A_15 : memref<640xf32, #tpu.memory_space<vmem_shared>>) target_semaphore(%run_scoped3A : memref<!tpu.dma_semaphore, #tpu.memory_space<semaphore_mem>>)
      %dma_wait3A = tpu.memref_slice %arg9[%mul3A_4] : memref<10240xf32, #tpu.memory_space<vmem_shared>> -> memref<640xf32, #tpu.memory_space<vmem_shared>>
      %dma_wait3A_16 = tpu.memref_slice %arg9[%mul3A_4] : memref<10240xf32, #tpu.memory_space<vmem_shared>> -> memref<640xf32, #tpu.memory_space<vmem_shared>>
      tpu.wait_dma2 semaphore(%run_scoped3A : memref<!tpu.dma_semaphore, #tpu.memory_space<semaphore_mem>>) src(%arg8 : memref<640xf32, #tpu.memory_space<vmem>>) dst(%dma_wait3A_16 : memref<640xf32, #tpu.memory_space<vmem_shared>>)
      tpu.yield
    }) : () -> ()
    %barrier3A = arith.constant 0 : index
    tpu.barrier barrier_id(%barrier3A)
    %scan3A = arith.constant 0 : i32
    %scan3A_5 = arith.constant 0 : i32
    %scan3A_6 = arith.constant 80 : i32
    %scan3A_7 = arith.addi %scan3A_5, %scan3A_6 : i32
    %scan3A_8 = arith.constant 1 : i32
    scf.for %scan3A_15 = %scan3A_5 to %scan3A_7 step %scan3A_8  : i32 {
      "tpu.region"() ({
        %run_scoped3A = tpu.sem_alloc : memref<!tpu.dma_semaphore, #tpu.memory_space<semaphore_mem>>
        %dma_start3A = arith.constant 0 : i32
        %dma_start3A_16 = tpu.memref_slice %arg6[%scan3A_15, %dma_start3A] : memref<80x128xi32, #tpu.memory_space<vmem>> -> memref<1x128xi32, #tpu.memory_space<vmem>>
        %dma_start3A_17 = tpu.memref_squeeze %dma_start3A_16 : memref<1x128xi32, #tpu.memory_space<vmem>> -> memref<128xi32, #tpu.memory_space<vmem>>
        %dma_start3A_18 = arith.constant 0 : i32
        %dma_start3A_19 = tpu.memref_slice %arg9[%dma_start3A_18] : memref<10240xf32, #tpu.memory_space<vmem_shared>> -> memref<10240xf32, #tpu.memory_space<vmem_shared>>
        tpu.enqueue_indirect_dma source(%arg7 : memref<128xf32, #tpu.memory_space<vmem>>) target(%dma_start3A_19 : memref<10240xf32, #tpu.memory_space<vmem_shared>>) offsets(%dma_start3A_17 : memref<128xi32, #tpu.memory_space<vmem>>) semaphore(%run_scoped3A : memref<!tpu.dma_semaphore, #tpu.memory_space<semaphore_mem>>) {add = true}
        %dma_wait3A = arith.constant 0 : i32
        %dma_wait3A_20 = tpu.memref_slice %arg6[%scan3A_15, %dma_wait3A] : memref<80x128xi32, #tpu.memory_space<vmem>> -> memref<1x128xi32, #tpu.memory_space<vmem>>
        %dma_wait3A_21 = tpu.memref_squeeze %dma_wait3A_20 : memref<1x128xi32, #tpu.memory_space<vmem>> -> memref<128xi32, #tpu.memory_space<vmem>>
        %dma_wait3A_22 = arith.constant 0 : i32
        %dma_wait3A_23 = tpu.memref_slice %arg9[%dma_wait3A_22] : memref<10240xf32, #tpu.memory_space<vmem_shared>> -> memref<10240xf32, #tpu.memory_space<vmem_shared>>
        tpu.wait_indirect_dma semaphore(%run_scoped3A : memref<!tpu.dma_semaphore, #tpu.memory_space<semaphore_mem>>) src(%arg7 : memref<128xf32, #tpu.memory_space<vmem>>) dst(%dma_wait3A_23 : memref<10240xf32, #tpu.memory_space<vmem_shared>>)
        tpu.yield
      }) : () -> ()
    }
    %scan3A_9 = arith.constant 80 : i32
    %barrier3A_10 = arith.constant 0 : index
    tpu.barrier barrier_id(%barrier3A_10)
    %mul3A_11 = arith.constant 640 : i32
    %mul3A_12 = arith.muli %arg1, %mul3A_11 : i32
    %mul3A_13 = arith.constant 640 : i32
    %mul3A_14 = arith.muli %arg1, %mul3A_13 : i32
    "tpu.region"() ({
      %run_scoped3A = tpu.sem_alloc : memref<!tpu.dma_semaphore, #tpu.memory_space<semaphore_mem>>
      %dma_start3A = tpu.memref_slice %arg5[%arg0, %mul3A_14] : memref<2x10240xf32, #tpu.memory_space<hbm>> -> memref<1x640xf32, #tpu.memory_space<hbm>>
      %dma_start3A_15 = tpu.memref_squeeze %dma_start3A : memref<1x640xf32, #tpu.memory_space<hbm>> -> memref<640xf32, #tpu.memory_space<hbm>>
      %dma_start3A_16 = tpu.memref_slice %arg9[%mul3A_12] : memref<10240xf32, #tpu.memory_space<vmem_shared>> -> memref<640xf32, #tpu.memory_space<vmem_shared>>
      tpu.enqueue_dma source(%dma_start3A_16 : memref<640xf32, #tpu.memory_space<vmem_shared>>) target(%dma_start3A_15 : memref<640xf32, #tpu.memory_space<hbm>>) target_semaphore(%run_scoped3A : memref<!tpu.dma_semaphore, #tpu.memory_space<semaphore_mem>>)
      %dma_wait3A = tpu.memref_slice %arg5[%arg0, %mul3A_14] : memref<2x10240xf32, #tpu.memory_space<hbm>> -> memref<1x640xf32, #tpu.memory_space<hbm>>
      %dma_wait3A_17 = tpu.memref_squeeze %dma_wait3A : memref<1x640xf32, #tpu.memory_space<hbm>> -> memref<640xf32, #tpu.memory_space<hbm>>
      %dma_wait3A_18 = tpu.memref_slice %arg9[%mul3A_12] : memref<10240xf32, #tpu.memory_space<vmem_shared>> -> memref<640xf32, #tpu.memory_space<vmem_shared>>
      tpu.wait_dma2 semaphore(%run_scoped3A : memref<!tpu.dma_semaphore, #tpu.memory_space<semaphore_mem>>) src(%dma_wait3A_18 : memref<640xf32, #tpu.memory_space<vmem_shared>>) dst(%dma_wait3A_17 : memref<640xf32, #tpu.memory_space<hbm>>)
      tpu.yield
    }) : () -> ()
    return
  }
}

#map = affine_map<(d0, d1) -> (0, 0)>
#map1 = affine_map<(d0, d1) -> (0, 0, 0)>
module attributes {stable_mosaic.version = 14 : i64} {
  func.func @_agg_body(%arg0: i32, %arg1: i32, %arg2: memref<10000x128xf32, #tpu.memory_space<hbm>>, %arg3: memref<2560x128xi32, #tpu.memory_space<hbm>>, %arg4: memref<2560x128xi32, #tpu.memory_space<hbm>>, %arg5: memref<128x128xf32, #tpu.memory_space<hbm>>, %arg6: memref<2x10240x128xf32, #tpu.memory_space<hbm>>, %arg7: memref<80x128xi32, #tpu.memory_space<vmem>>, %arg8: memref<128xi32, #tpu.memory_space<vmem>>, %arg9: memref<128xi32, #tpu.memory_space<vmem>>, %arg10: memref<128x128xf32, #tpu.memory_space<vmem>>, %arg11: memref<128x128xf32, #tpu.memory_space<vmem>>, %arg12: memref<10240x128xf32, #tpu.memory_space<vmem_shared>>, %arg13: memref<!tpu.dma_semaphore, #tpu.memory_space<semaphore_mem>>, %arg14: memref<!tpu.dma_semaphore, #tpu.memory_space<semaphore_mem>>, %arg15: memref<!tpu.dma_semaphore, #tpu.memory_space<semaphore_mem>>, %arg16: memref<!tpu.dma_semaphore, #tpu.memory_space<semaphore_mem>>) attributes {dimension_semantics = [#tpu.dimension_semantics<core_parallel>, #tpu.dimension_semantics<subcore_parallel>], iteration_bounds = array<i64: 2, 16>, scalar_prefetch = 0 : i64, scratch_operands = 10 : i64, tpu.core_type = #tpu.core_type<sc_vector_subcore>, window_params = [{transform_indices = #map}, {transform_indices = #map}, {transform_indices = #map}, {transform_indices = #map}, {transform_indices = #map1}]} {
    %mul3A = arith.constant 2 : i32
    %mul3A_0 = arith.muli %arg1, %mul3A : i32
    %add3A = arith.addi %mul3A_0, %arg0 : i32
    %mul3A_1 = arith.constant 80 : i32
    %mul3A_2 = arith.muli %add3A, %mul3A_1 : i32
    "tpu.region"() ({
      %run_scoped3A = tpu.sem_alloc : memref<!tpu.dma_semaphore, #tpu.memory_space<semaphore_mem>>
      tpu.enqueue_dma source(%arg5 : memref<128x128xf32, #tpu.memory_space<hbm>>) target(%arg10 : memref<128x128xf32, #tpu.memory_space<vmem>>) target_semaphore(%run_scoped3A : memref<!tpu.dma_semaphore, #tpu.memory_space<semaphore_mem>>)
      tpu.wait_dma2 semaphore(%run_scoped3A : memref<!tpu.dma_semaphore, #tpu.memory_space<semaphore_mem>>) src(%arg5 : memref<128x128xf32, #tpu.memory_space<hbm>>) dst(%arg10 : memref<128x128xf32, #tpu.memory_space<vmem>>)
      tpu.yield
    }) : () -> ()
    "tpu.region"() ({
      %run_scoped3A = tpu.sem_alloc : memref<!tpu.dma_semaphore, #tpu.memory_space<semaphore_mem>>
      %dma_start3A_41 = arith.constant 0 : i32
      %dma_start3A_42 = tpu.memref_slice %arg3[%mul3A_2, %dma_start3A_41] : memref<2560x128xi32, #tpu.memory_space<hbm>> -> memref<80x128xi32, #tpu.memory_space<hbm>>
      %dma_start3A_43 = arith.constant 0 : i32
      %dma_start3A_44 = tpu.memref_slice %arg3[%mul3A_2, %dma_start3A_43] : memref<2560x128xi32, #tpu.memory_space<hbm>> -> memref<80x128xi32, #tpu.memory_space<hbm>>
      tpu.enqueue_dma source(%dma_start3A_44 : memref<80x128xi32, #tpu.memory_space<hbm>>) target(%arg7 : memref<80x128xi32, #tpu.memory_space<vmem>>) target_semaphore(%run_scoped3A : memref<!tpu.dma_semaphore, #tpu.memory_space<semaphore_mem>>)
      %dma_wait3A = arith.constant 0 : i32
      %dma_wait3A_45 = tpu.memref_slice %arg3[%mul3A_2, %dma_wait3A] : memref<2560x128xi32, #tpu.memory_space<hbm>> -> memref<80x128xi32, #tpu.memory_space<hbm>>
      %dma_wait3A_46 = arith.constant 0 : i32
      %dma_wait3A_47 = tpu.memref_slice %arg3[%mul3A_2, %dma_wait3A_46] : memref<2560x128xi32, #tpu.memory_space<hbm>> -> memref<80x128xi32, #tpu.memory_space<hbm>>
      tpu.wait_dma2 semaphore(%run_scoped3A : memref<!tpu.dma_semaphore, #tpu.memory_space<semaphore_mem>>) src(%dma_wait3A_47 : memref<80x128xi32, #tpu.memory_space<hbm>>) dst(%arg7 : memref<80x128xi32, #tpu.memory_space<vmem>>)
      tpu.yield
    }) : () -> ()
    %scan3A = arith.constant 0 : i32
    %scan3A_3 = arith.constant 0 : i32
    %scan3A_4 = arith.constant 5 : i32
    %scan3A_5 = arith.addi %scan3A_3, %scan3A_4 : i32
    %scan3A_6 = arith.constant 1 : i32
    scf.for %scan3A_41 = %scan3A_3 to %scan3A_5 step %scan3A_6  : i32 {
      %mul3A_42 = arith.constant 640 : i32
      %mul3A_43 = arith.muli %arg1, %mul3A_42 : i32
      %mul3A_44 = arith.constant 128 : i32
      %mul3A_45 = arith.muli %scan3A_41, %mul3A_44 : i32
      %add3A_46 = arith.addi %mul3A_43, %mul3A_45 : i32
      "tpu.region"() ({
        %run_scoped3A = tpu.sem_alloc : memref<!tpu.dma_semaphore, #tpu.memory_space<semaphore_mem>>
        %dma_start3A_47 = arith.constant 0 : i32
        %dma_start3A_48 = tpu.memref_slice %arg12[%add3A_46, %dma_start3A_47] : memref<10240x128xf32, #tpu.memory_space<vmem_shared>> -> memref<128x128xf32, #tpu.memory_space<vmem_shared>>
        %dma_start3A_49 = arith.constant 0 : i32
        %dma_start3A_50 = tpu.memref_slice %arg12[%add3A_46, %dma_start3A_49] : memref<10240x128xf32, #tpu.memory_space<vmem_shared>> -> memref<128x128xf32, #tpu.memory_space<vmem_shared>>
        tpu.enqueue_dma source(%arg10 : memref<128x128xf32, #tpu.memory_space<vmem>>) target(%dma_start3A_50 : memref<128x128xf32, #tpu.memory_space<vmem_shared>>) target_semaphore(%run_scoped3A : memref<!tpu.dma_semaphore, #tpu.memory_space<semaphore_mem>>)
        %dma_wait3A = arith.constant 0 : i32
        %dma_wait3A_51 = tpu.memref_slice %arg12[%add3A_46, %dma_wait3A] : memref<10240x128xf32, #tpu.memory_space<vmem_shared>> -> memref<128x128xf32, #tpu.memory_space<vmem_shared>>
        %dma_wait3A_52 = arith.constant 0 : i32
        %dma_wait3A_53 = tpu.memref_slice %arg12[%add3A_46, %dma_wait3A_52] : memref<10240x128xf32, #tpu.memory_space<vmem_shared>> -> memref<128x128xf32, #tpu.memory_space<vmem_shared>>
        tpu.wait_dma2 semaphore(%run_scoped3A : memref<!tpu.dma_semaphore, #tpu.memory_space<semaphore_mem>>) src(%arg10 : memref<128x128xf32, #tpu.memory_space<vmem>>) dst(%dma_wait3A_53 : memref<128x128xf32, #tpu.memory_space<vmem_shared>>)
        tpu.yield
      }) : () -> ()
    }
    %scan3A_7 = arith.constant 5 : i32
    %barrier3A = arith.constant 0 : index
    tpu.barrier barrier_id(%barrier3A)
    %dma_start3A = arith.constant 0 : i32
    %dma_start3A_8 = tpu.memref_slice %arg4[%mul3A_2, %dma_start3A] : memref<2560x128xi32, #tpu.memory_space<hbm>> -> memref<1x128xi32, #tpu.memory_space<hbm>>
    %dma_start3A_9 = tpu.memref_squeeze %dma_start3A_8 : memref<1x128xi32, #tpu.memory_space<hbm>> -> memref<128xi32, #tpu.memory_space<hbm>>
    %dma_start3A_10 = arith.constant 0 : i32
    %dma_start3A_11 = tpu.memref_slice %arg4[%mul3A_2, %dma_start3A_10] : memref<2560x128xi32, #tpu.memory_space<hbm>> -> memref<1x128xi32, #tpu.memory_space<hbm>>
    %dma_start3A_12 = tpu.memref_squeeze %dma_start3A_11 : memref<1x128xi32, #tpu.memory_space<hbm>> -> memref<128xi32, #tpu.memory_space<hbm>>
    tpu.enqueue_dma source(%dma_start3A_12 : memref<128xi32, #tpu.memory_space<hbm>>) target(%arg8 : memref<128xi32, #tpu.memory_space<vmem>>) target_semaphore(%arg13 : memref<!tpu.dma_semaphore, #tpu.memory_space<semaphore_mem>>)
    %add3A_13 = arith.constant 1 : i32
    %add3A_14 = arith.addi %mul3A_2, %add3A_13 : i32
    %dma_start3A_15 = arith.constant 0 : i32
    %dma_start3A_16 = tpu.memref_slice %arg4[%add3A_14, %dma_start3A_15] : memref<2560x128xi32, #tpu.memory_space<hbm>> -> memref<1x128xi32, #tpu.memory_space<hbm>>
    %dma_start3A_17 = tpu.memref_squeeze %dma_start3A_16 : memref<1x128xi32, #tpu.memory_space<hbm>> -> memref<128xi32, #tpu.memory_space<hbm>>
    %dma_start3A_18 = arith.constant 0 : i32
    %dma_start3A_19 = tpu.memref_slice %arg4[%add3A_14, %dma_start3A_18] : memref<2560x128xi32, #tpu.memory_space<hbm>> -> memref<1x128xi32, #tpu.memory_space<hbm>>
    %dma_start3A_20 = tpu.memref_squeeze %dma_start3A_19 : memref<1x128xi32, #tpu.memory_space<hbm>> -> memref<128xi32, #tpu.memory_space<hbm>>
    tpu.enqueue_dma source(%dma_start3A_20 : memref<128xi32, #tpu.memory_space<hbm>>) target(%arg9 : memref<128xi32, #tpu.memory_space<vmem>>) target_semaphore(%arg14 : memref<!tpu.dma_semaphore, #tpu.memory_space<semaphore_mem>>)
    %dma_start3A_21 = arith.constant 0 : i32
    %dma_start3A_22 = arith.constant 0 : i32
    %dma_start3A_23 = tpu.memref_slice %arg7[%dma_start3A_21, %dma_start3A_22] : memref<80x128xi32, #tpu.memory_space<vmem>> -> memref<1x128xi32, #tpu.memory_space<vmem>>
    %dma_start3A_24 = tpu.memref_squeeze %dma_start3A_23 : memref<1x128xi32, #tpu.memory_space<vmem>> -> memref<128xi32, #tpu.memory_space<vmem>>
    %dma_start3A_25 = arith.constant 0 : i32
    %dma_start3A_26 = arith.constant 0 : i32
    %dma_start3A_27 = tpu.memref_slice %arg2[%dma_start3A_25, %dma_start3A_26] : memref<10000x128xf32, #tpu.memory_space<hbm>> -> memref<10000x128xf32, #tpu.memory_space<hbm>>
    tpu.enqueue_indirect_dma source(%dma_start3A_27 : memref<10000x128xf32, #tpu.memory_space<hbm>>) target(%arg10 : memref<128x128xf32, #tpu.memory_space<vmem>>) offsets(%dma_start3A_24 : memref<128xi32, #tpu.memory_space<vmem>>) semaphore(%arg15 : memref<!tpu.dma_semaphore, #tpu.memory_space<semaphore_mem>>)
    %scan3A_28 = arith.constant 0 : i32
    %scan3A_29 = arith.constant 0 : i32
    %scan3A_30 = arith.constant 40 : i32
    %scan3A_31 = arith.addi %scan3A_29, %scan3A_30 : i32
    %scan3A_32 = arith.constant 1 : i32
    scf.for %scan3A_41 = %scan3A_29 to %scan3A_31 step %scan3A_32  : i32 {
      %mul3A_42 = arith.constant 2 : i32
      %mul3A_43 = arith.muli %mul3A_42, %scan3A_41 : i32
      %add3A_44 = arith.constant 1 : i32
      %add3A_45 = arith.addi %mul3A_43, %add3A_44 : i32
      %dma_start3A_46 = arith.constant 0 : i32
      %dma_start3A_47 = tpu.memref_slice %arg7[%add3A_45, %dma_start3A_46] : memref<80x128xi32, #tpu.memory_space<vmem>> -> memref<1x128xi32, #tpu.memory_space<vmem>>
      %dma_start3A_48 = tpu.memref_squeeze %dma_start3A_47 : memref<1x128xi32, #tpu.memory_space<vmem>> -> memref<128xi32, #tpu.memory_space<vmem>>
      %dma_start3A_49 = arith.constant 0 : i32
      %dma_start3A_50 = arith.constant 0 : i32
      %dma_start3A_51 = tpu.memref_slice %arg2[%dma_start3A_49, %dma_start3A_50] : memref<10000x128xf32, #tpu.memory_space<hbm>> -> memref<10000x128xf32, #tpu.memory_space<hbm>>
      tpu.enqueue_indirect_dma source(%dma_start3A_51 : memref<10000x128xf32, #tpu.memory_space<hbm>>) target(%arg11 : memref<128x128xf32, #tpu.memory_space<vmem>>) offsets(%dma_start3A_48 : memref<128xi32, #tpu.memory_space<vmem>>) semaphore(%arg16 : memref<!tpu.dma_semaphore, #tpu.memory_space<semaphore_mem>>)
      %dma_wait3A = arith.constant 0 : i32
      %dma_wait3A_52 = tpu.memref_slice %arg7[%mul3A_43, %dma_wait3A] : memref<80x128xi32, #tpu.memory_space<vmem>> -> memref<1x128xi32, #tpu.memory_space<vmem>>
      %dma_wait3A_53 = tpu.memref_squeeze %dma_wait3A_52 : memref<1x128xi32, #tpu.memory_space<vmem>> -> memref<128xi32, #tpu.memory_space<vmem>>
      %dma_wait3A_54 = arith.constant 0 : i32
      %dma_wait3A_55 = arith.constant 0 : i32
      %dma_wait3A_56 = tpu.memref_slice %arg2[%dma_wait3A_54, %dma_wait3A_55] : memref<10000x128xf32, #tpu.memory_space<hbm>> -> memref<10000x128xf32, #tpu.memory_space<hbm>>
      tpu.wait_indirect_dma semaphore(%arg15 : memref<!tpu.dma_semaphore, #tpu.memory_space<semaphore_mem>>) src(%dma_wait3A_56 : memref<10000x128xf32, #tpu.memory_space<hbm>>) dst(%arg10 : memref<128x128xf32, #tpu.memory_space<vmem>>)
      %add3A_57 = arith.addi %mul3A_2, %mul3A_43 : i32
      %dma_wait3A_58 = arith.constant 0 : i32
      %dma_wait3A_59 = tpu.memref_slice %arg4[%add3A_57, %dma_wait3A_58] : memref<2560x128xi32, #tpu.memory_space<hbm>> -> memref<1x128xi32, #tpu.memory_space<hbm>>
      %dma_wait3A_60 = tpu.memref_squeeze %dma_wait3A_59 : memref<1x128xi32, #tpu.memory_space<hbm>> -> memref<128xi32, #tpu.memory_space<hbm>>
      %dma_wait3A_61 = arith.constant 0 : i32
      %dma_wait3A_62 = tpu.memref_slice %arg4[%add3A_57, %dma_wait3A_61] : memref<2560x128xi32, #tpu.memory_space<hbm>> -> memref<1x128xi32, #tpu.memory_space<hbm>>
      %dma_wait3A_63 = tpu.memref_squeeze %dma_wait3A_62 : memref<1x128xi32, #tpu.memory_space<hbm>> -> memref<128xi32, #tpu.memory_space<hbm>>
      tpu.wait_dma2 semaphore(%arg13 : memref<!tpu.dma_semaphore, #tpu.memory_space<semaphore_mem>>) src(%dma_wait3A_63 : memref<128xi32, #tpu.memory_space<hbm>>) dst(%arg8 : memref<128xi32, #tpu.memory_space<vmem>>)
      "tpu.region"() ({
        %run_scoped3A = tpu.sem_alloc : memref<!tpu.dma_semaphore, #tpu.memory_space<semaphore_mem>>
        %dma_start3A_92 = arith.constant 0 : i32
        %dma_start3A_93 = arith.constant 0 : i32
        %dma_start3A_94 = tpu.memref_slice %arg12[%dma_start3A_92, %dma_start3A_93] : memref<10240x128xf32, #tpu.memory_space<vmem_shared>> -> memref<10240x128xf32, #tpu.memory_space<vmem_shared>>
        tpu.enqueue_indirect_dma source(%arg10 : memref<128x128xf32, #tpu.memory_space<vmem>>) target(%dma_start3A_94 : memref<10240x128xf32, #tpu.memory_space<vmem_shared>>) offsets(%arg8 : memref<128xi32, #tpu.memory_space<vmem>>) semaphore(%run_scoped3A : memref<!tpu.dma_semaphore, #tpu.memory_space<semaphore_mem>>) {add = true}
        %dma_wait3A_95 = arith.constant 0 : i32
        %dma_wait3A_96 = arith.constant 0 : i32
        %dma_wait3A_97 = tpu.memref_slice %arg12[%dma_wait3A_95, %dma_wait3A_96] : memref<10240x128xf32, #tpu.memory_space<vmem_shared>> -> memref<10240x128xf32, #tpu.memory_space<vmem_shared>>
        tpu.wait_indirect_dma semaphore(%run_scoped3A : memref<!tpu.dma_semaphore, #tpu.memory_space<semaphore_mem>>) src(%arg10 : memref<128x128xf32, #tpu.memory_space<vmem>>) dst(%dma_wait3A_97 : memref<10240x128xf32, #tpu.memory_space<vmem_shared>>)
        tpu.yield
      }) : () -> ()
      %add3A_64 = arith.constant 2 : i32
      %add3A_65 = arith.addi %mul3A_43, %add3A_64 : i32
      %lt3A = arith.constant 80 : i32
      %lt3A_66 = arith.cmpi slt, %add3A_65, %lt3A : i32
      %convert_element_type3A = arith.extui %lt3A_66 : i1 to i32
      %cond3A = arith.constant 0 : i32
      %cond3A_67 = arith.cmpi ne, %convert_element_type3A, %cond3A : i32
      scf.if %cond3A_67 {
        %add3A_92 = arith.addi %mul3A_2, %mul3A_43 : i32
        %add3A_93 = arith.constant 2 : i32
        %add3A_94 = arith.addi %add3A_92, %add3A_93 : i32
        %dma_start3A_95 = arith.constant 0 : i32
        %dma_start3A_96 = tpu.memref_slice %arg4[%add3A_94, %dma_start3A_95] : memref<2560x128xi32, #tpu.memory_space<hbm>> -> memref<1x128xi32, #tpu.memory_space<hbm>>
        %dma_start3A_97 = tpu.memref_squeeze %dma_start3A_96 : memref<1x128xi32, #tpu.memory_space<hbm>> -> memref<128xi32, #tpu.memory_space<hbm>>
        %dma_start3A_98 = arith.constant 0 : i32
        %dma_start3A_99 = tpu.memref_slice %arg4[%add3A_94, %dma_start3A_98] : memref<2560x128xi32, #tpu.memory_space<hbm>> -> memref<1x128xi32, #tpu.memory_space<hbm>>
        %dma_start3A_100 = tpu.memref_squeeze %dma_start3A_99 : memref<1x128xi32, #tpu.memory_space<hbm>> -> memref<128xi32, #tpu.memory_space<hbm>>
        tpu.enqueue_dma source(%dma_start3A_100 : memref<128xi32, #tpu.memory_space<hbm>>) target(%arg8 : memref<128xi32, #tpu.memory_space<vmem>>) target_semaphore(%arg13 : memref<!tpu.dma_semaphore, #tpu.memory_space<semaphore_mem>>)
        %add3A_101 = arith.constant 2 : i32
        %add3A_102 = arith.addi %mul3A_43, %add3A_101 : i32
        %dma_start3A_103 = arith.constant 0 : i32
        %dma_start3A_104 = tpu.memref_slice %arg7[%add3A_102, %dma_start3A_103] : memref<80x128xi32, #tpu.memory_space<vmem>> -> memref<1x128xi32, #tpu.memory_space<vmem>>
        %dma_start3A_105 = tpu.memref_squeeze %dma_start3A_104 : memref<1x128xi32, #tpu.memory_space<vmem>> -> memref<128xi32, #tpu.memory_space<vmem>>
        %dma_start3A_106 = arith.constant 0 : i32
        %dma_start3A_107 = arith.constant 0 : i32
        %dma_start3A_108 = tpu.memref_slice %arg2[%dma_start3A_106, %dma_start3A_107] : memref<10000x128xf32, #tpu.memory_space<hbm>> -> memref<10000x128xf32, #tpu.memory_space<hbm>>
        tpu.enqueue_indirect_dma source(%dma_start3A_108 : memref<10000x128xf32, #tpu.memory_space<hbm>>) target(%arg10 : memref<128x128xf32, #tpu.memory_space<vmem>>) offsets(%dma_start3A_105 : memref<128xi32, #tpu.memory_space<vmem>>) semaphore(%arg15 : memref<!tpu.dma_semaphore, #tpu.memory_space<semaphore_mem>>)
      } else {
      }
      %add3A_68 = arith.constant 1 : i32
      %add3A_69 = arith.addi %mul3A_43, %add3A_68 : i32
      %dma_wait3A_70 = arith.constant 0 : i32
      %dma_wait3A_71 = tpu.memref_slice %arg7[%add3A_69, %dma_wait3A_70] : memref<80x128xi32, #tpu.memory_space<vmem>> -> memref<1x128xi32, #tpu.memory_space<vmem>>
      %dma_wait3A_72 = tpu.memref_squeeze %dma_wait3A_71 : memref<1x128xi32, #tpu.memory_space<vmem>> -> memref<128xi32, #tpu.memory_space<vmem>>
      %dma_wait3A_73 = arith.constant 0 : i32
      %dma_wait3A_74 = arith.constant 0 : i32
      %dma_wait3A_75 = tpu.memref_slice %arg2[%dma_wait3A_73, %dma_wait3A_74] : memref<10000x128xf32, #tpu.memory_space<hbm>> -> memref<10000x128xf32, #tpu.memory_space<hbm>>
      tpu.wait_indirect_dma semaphore(%arg16 : memref<!tpu.dma_semaphore, #tpu.memory_space<semaphore_mem>>) src(%dma_wait3A_75 : memref<10000x128xf32, #tpu.memory_space<hbm>>) dst(%arg11 : memref<128x128xf32, #tpu.memory_space<vmem>>)
      %add3A_76 = arith.addi %mul3A_2, %mul3A_43 : i32
      %add3A_77 = arith.constant 1 : i32
      %add3A_78 = arith.addi %add3A_76, %add3A_77 : i32
      %dma_wait3A_79 = arith.constant 0 : i32
      %dma_wait3A_80 = tpu.memref_slice %arg4[%add3A_78, %dma_wait3A_79] : memref<2560x128xi32, #tpu.memory_space<hbm>> -> memref<1x128xi32, #tpu.memory_space<hbm>>
      %dma_wait3A_81 = tpu.memref_squeeze %dma_wait3A_80 : memref<1x128xi32, #tpu.memory_space<hbm>> -> memref<128xi32, #tpu.memory_space<hbm>>
      %dma_wait3A_82 = arith.constant 0 : i32
      %dma_wait3A_83 = tpu.memref_slice %arg4[%add3A_78, %dma_wait3A_82] : memref<2560x128xi32, #tpu.memory_space<hbm>> -> memref<1x128xi32, #tpu.memory_space<hbm>>
      %dma_wait3A_84 = tpu.memref_squeeze %dma_wait3A_83 : memref<1x128xi32, #tpu.memory_space<hbm>> -> memref<128xi32, #tpu.memory_space<hbm>>
      tpu.wait_dma2 semaphore(%arg14 : memref<!tpu.dma_semaphore, #tpu.memory_space<semaphore_mem>>) src(%dma_wait3A_84 : memref<128xi32, #tpu.memory_space<hbm>>) dst(%arg9 : memref<128xi32, #tpu.memory_space<vmem>>)
      "tpu.region"() ({
        %run_scoped3A = tpu.sem_alloc : memref<!tpu.dma_semaphore, #tpu.memory_space<semaphore_mem>>
        %dma_start3A_92 = arith.constant 0 : i32
        %dma_start3A_93 = arith.constant 0 : i32
        %dma_start3A_94 = tpu.memref_slice %arg12[%dma_start3A_92, %dma_start3A_93] : memref<10240x128xf32, #tpu.memory_space<vmem_shared>> -> memref<10240x128xf32, #tpu.memory_space<vmem_shared>>
        tpu.enqueue_indirect_dma source(%arg11 : memref<128x128xf32, #tpu.memory_space<vmem>>) target(%dma_start3A_94 : memref<10240x128xf32, #tpu.memory_space<vmem_shared>>) offsets(%arg9 : memref<128xi32, #tpu.memory_space<vmem>>) semaphore(%run_scoped3A : memref<!tpu.dma_semaphore, #tpu.memory_space<semaphore_mem>>) {add = true}
        %dma_wait3A_95 = arith.constant 0 : i32
        %dma_wait3A_96 = arith.constant 0 : i32
        %dma_wait3A_97 = tpu.memref_slice %arg12[%dma_wait3A_95, %dma_wait3A_96] : memref<10240x128xf32, #tpu.memory_space<vmem_shared>> -> memref<10240x128xf32, #tpu.memory_space<vmem_shared>>
        tpu.wait_indirect_dma semaphore(%run_scoped3A : memref<!tpu.dma_semaphore, #tpu.memory_space<semaphore_mem>>) src(%arg11 : memref<128x128xf32, #tpu.memory_space<vmem>>) dst(%dma_wait3A_97 : memref<10240x128xf32, #tpu.memory_space<vmem_shared>>)
        tpu.yield
      }) : () -> ()
      %add3A_85 = arith.constant 3 : i32
      %add3A_86 = arith.addi %mul3A_43, %add3A_85 : i32
      %lt3A_87 = arith.constant 80 : i32
      %lt3A_88 = arith.cmpi slt, %add3A_86, %lt3A_87 : i32
      %convert_element_type3A_89 = arith.extui %lt3A_88 : i1 to i32
      %cond3A_90 = arith.constant 0 : i32
      %cond3A_91 = arith.cmpi ne, %convert_element_type3A_89, %cond3A_90 : i32
      scf.if %cond3A_91 {
        %add3A_92 = arith.addi %mul3A_2, %mul3A_43 : i32
        %add3A_93 = arith.constant 3 : i32
        %add3A_94 = arith.addi %add3A_92, %add3A_93 : i32
        %dma_start3A_95 = arith.constant 0 : i32
        %dma_start3A_96 = tpu.memref_slice %arg4[%add3A_94, %dma_start3A_95] : memref<2560x128xi32, #tpu.memory_space<hbm>> -> memref<1x128xi32, #tpu.memory_space<hbm>>
        %dma_start3A_97 = tpu.memref_squeeze %dma_start3A_96 : memref<1x128xi32, #tpu.memory_space<hbm>> -> memref<128xi32, #tpu.memory_space<hbm>>
        %dma_start3A_98 = arith.constant 0 : i32
        %dma_start3A_99 = tpu.memref_slice %arg4[%add3A_94, %dma_start3A_98] : memref<2560x128xi32, #tpu.memory_space<hbm>> -> memref<1x128xi32, #tpu.memory_space<hbm>>
        %dma_start3A_100 = tpu.memref_squeeze %dma_start3A_99 : memref<1x128xi32, #tpu.memory_space<hbm>> -> memref<128xi32, #tpu.memory_space<hbm>>
        tpu.enqueue_dma source(%dma_start3A_100 : memref<128xi32, #tpu.memory_space<hbm>>) target(%arg9 : memref<128xi32, #tpu.memory_space<vmem>>) target_semaphore(%arg14 : memref<!tpu.dma_semaphore, #tpu.memory_space<semaphore_mem>>)
      } else {
      }
    }
    %scan3A_33 = arith.constant 40 : i32
    %barrier3A_34 = arith.constant 0 : index
    tpu.barrier barrier_id(%barrier3A_34)
    %scan3A_35 = arith.constant 0 : i32
    %scan3A_36 = arith.constant 0 : i32
    %scan3A_37 = arith.constant 10 : i32
    %scan3A_38 = arith.addi %scan3A_36, %scan3A_37 : i32
    %scan3A_39 = arith.constant 1 : i32
    scf.for %scan3A_41 = %scan3A_36 to %scan3A_38 step %scan3A_39  : i32 {
      %mul3A_42 = arith.constant 640 : i32
      %mul3A_43 = arith.muli %arg1, %mul3A_42 : i32
      %mul3A_44 = arith.constant 64 : i32
      %mul3A_45 = arith.muli %scan3A_41, %mul3A_44 : i32
      %add3A_46 = arith.addi %mul3A_43, %mul3A_45 : i32
      %mul3A_47 = arith.constant 640 : i32
      %mul3A_48 = arith.muli %arg1, %mul3A_47 : i32
      %mul3A_49 = arith.constant 64 : i32
      %mul3A_50 = arith.muli %scan3A_41, %mul3A_49 : i32
      %add3A_51 = arith.addi %mul3A_48, %mul3A_50 : i32
      "tpu.region"() ({
        %run_scoped3A = tpu.sem_alloc : memref<!tpu.dma_semaphore, #tpu.memory_space<semaphore_mem>>
        %dma_start3A_52 = arith.constant 0 : i32
        %dma_start3A_53 = tpu.memref_slice %arg6[%arg0, %add3A_51, %dma_start3A_52] : memref<2x10240x128xf32, #tpu.memory_space<hbm>> -> memref<1x64x128xf32, #tpu.memory_space<hbm>>
        %dma_start3A_54 = tpu.memref_squeeze %dma_start3A_53 : memref<1x64x128xf32, #tpu.memory_space<hbm>> -> memref<64x128xf32, #tpu.memory_space<hbm>>
        %dma_start3A_55 = arith.constant 0 : i32
        %dma_start3A_56 = tpu.memref_slice %arg12[%add3A_46, %dma_start3A_55] : memref<10240x128xf32, #tpu.memory_space<vmem_shared>> -> memref<64x128xf32, #tpu.memory_space<vmem_shared>>
        tpu.enqueue_dma source(%dma_start3A_56 : memref<64x128xf32, #tpu.memory_space<vmem_shared>>) target(%dma_start3A_54 : memref<64x128xf32, #tpu.memory_space<hbm>>) target_semaphore(%run_scoped3A : memref<!tpu.dma_semaphore, #tpu.memory_space<semaphore_mem>>)
        %dma_wait3A = arith.constant 0 : i32
        %dma_wait3A_57 = tpu.memref_slice %arg6[%arg0, %add3A_51, %dma_wait3A] : memref<2x10240x128xf32, #tpu.memory_space<hbm>> -> memref<1x64x128xf32, #tpu.memory_space<hbm>>
        %dma_wait3A_58 = tpu.memref_squeeze %dma_wait3A_57 : memref<1x64x128xf32, #tpu.memory_space<hbm>> -> memref<64x128xf32, #tpu.memory_space<hbm>>
        %dma_wait3A_59 = arith.constant 0 : i32
        %dma_wait3A_60 = tpu.memref_slice %arg12[%add3A_46, %dma_wait3A_59] : memref<10240x128xf32, #tpu.memory_space<vmem_shared>> -> memref<64x128xf32, #tpu.memory_space<vmem_shared>>
        tpu.wait_dma2 semaphore(%run_scoped3A : memref<!tpu.dma_semaphore, #tpu.memory_space<semaphore_mem>>) src(%dma_wait3A_60 : memref<64x128xf32, #tpu.memory_space<vmem_shared>>) dst(%dma_wait3A_58 : memref<64x128xf32, #tpu.memory_space<hbm>>)
        tpu.yield
      }) : () -> ()
    }
    %scan3A_40 = arith.constant 10 : i32
    return
  }
}

module attributes {stable_mosaic.version = 14 : i64} {
  func.func @_scale_body(%arg0: memref<10000x128xf32, #tpu.memory_space<vmem>>, %arg1: memref<128x128xf32, #tpu.memory_space<vmem>>, %arg2: memref<10000x2xf32, #tpu.memory_space<vmem>>, %arg3: memref<10000x128xf32, #tpu.memory_space<vmem>>) attributes {dimension_semantics = [], scalar_prefetch = 0 : i64, scratch_operands = 0 : i64, tpu.core_type = #tpu.core_type<tc>} {
    %get3A = arith.constant 0 : index
    %get3A_0 = arith.constant 0 : index
    %get3A_1 = vector.load %arg0[%get3A, %get3A_0] : memref<10000x128xf32, #tpu.memory_space<vmem>>, vector<10000x128xf32>
    %get3A_2 = arith.constant 0 : index
    %get3A_3 = arith.constant 0 : index
    %get3A_4 = vector.load %arg1[%get3A_2, %get3A_3] : memref<128x128xf32, #tpu.memory_space<vmem>>, vector<128x128xf32>
    %dot_general3A = arith.constant dense<0.000000e+00> : vector<10000x128xf32>
    %dot_general3A_5 = tpu.matmul %get3A_1, %get3A_4, %dot_general3A {dimension_numbers = #tpu.dot_dimension_numbers<[1], [0], [0], [1], [0, 0, 1, 1], [], []>, transpose_lhs_hint = false} : vector<10000x128xf32>, vector<128x128xf32>, vector<10000x128xf32> -> vector<10000x128xf32>
    %get3A_6 = arith.constant 0 : index
    %get3A_7 = arith.constant 0 : index
    %get3A_8 = vector.load %arg2[%get3A_6, %get3A_7] : memref<10000x2xf32, #tpu.memory_space<vmem>>, vector<10000x1xf32>
    %get3A_9 = arith.constant 0 : index
    %get3A_10 = arith.constant 1 : index
    %get3A_11 = vector.load %arg2[%get3A_9, %get3A_10] : memref<10000x2xf32, #tpu.memory_space<vmem>>, vector<10000x1xf32>
    %add3A = arith.addf %get3A_8, %get3A_11 : vector<10000x1xf32>
    %add3A_12 = arith.constant 1.000000e+00 : f32
    %add3A_13 = vector.broadcast %add3A_12 : f32 to vector<10000x1xf32>
    %add3A_14 = arith.addf %add3A, %add3A_13 : vector<10000x1xf32>
    %rsqrt3A = math.rsqrt %add3A_14 : vector<10000x1xf32>
    %mul3A = vector.broadcast %rsqrt3A : vector<10000x1xf32> to vector<10000x128xf32>
    %mul3A_15 = arith.mulf %dot_general3A_5, %mul3A : vector<10000x128xf32>
    %swap3A = arith.constant 0 : index
    %swap3A_16 = arith.constant 0 : index
    %swap3A_17 = vector.load %arg3[%swap3A, %swap3A_16] : memref<10000x128xf32, #tpu.memory_space<vmem>>, vector<10000x128xf32>
    tpu.vector_store %arg3[%swap3A, %swap3A_16], %mul3A_15 {strides = array<i32>} : memref<10000x128xf32, #tpu.memory_space<vmem>>, vector<10000x128xf32>,
    return
  }
}

module attributes {stable_mosaic.version = 14 : i64} {
  func.func @_head_body(%arg0: memref<2x10240x128xf32, #tpu.memory_space<vmem>>, %arg1: memref<10000x128xf32, #tpu.memory_space<vmem>>, %arg2: memref<10000x2xf32, #tpu.memory_space<vmem>>, %arg3: memref<1x128xf32, #tpu.memory_space<vmem>>, %arg4: memref<128x1xf32, #tpu.memory_space<vmem>>, %arg5: memref<1x1xf32, #tpu.memory_space<vmem>>, %arg6: memref<10000x1xf32, #tpu.memory_space<vmem>>) attributes {dimension_semantics = [], scalar_prefetch = 0 : i64, scratch_operands = 0 : i64, tpu.core_type = #tpu.core_type<tc>} {
    %get3A = arith.constant 0 : index
    %get3A_0 = arith.constant 0 : index
    %get3A_1 = arith.constant 0 : index
    %get3A_2 = vector.load %arg0[%get3A, %get3A_0, %get3A_1] : memref<2x10240x128xf32, #tpu.memory_space<vmem>>, vector<1x10000x128xf32>
    %get3A_3 = vector.shape_cast %get3A_2 : vector<1x10000x128xf32> to vector<10000x128xf32>
    %get3A_4 = arith.constant 1 : index
    %get3A_5 = arith.constant 0 : index
    %get3A_6 = arith.constant 0 : index
    %get3A_7 = vector.load %arg0[%get3A_4, %get3A_5, %get3A_6] : memref<2x10240x128xf32, #tpu.memory_space<vmem>>, vector<1x10000x128xf32>
    %get3A_8 = vector.shape_cast %get3A_7 : vector<1x10000x128xf32> to vector<10000x128xf32>
    %add3A = arith.addf %get3A_3, %get3A_8 : vector<10000x128xf32>
    %get3A_9 = arith.constant 0 : index
    %get3A_10 = arith.constant 0 : index
    %get3A_11 = vector.load %arg1[%get3A_9, %get3A_10] : memref<10000x128xf32, #tpu.memory_space<vmem>>, vector<10000x128xf32>
    %add3A_12 = arith.addf %add3A, %get3A_11 : vector<10000x128xf32>
    %get3A_13 = arith.constant 0 : index
    %get3A_14 = arith.constant 0 : index
    %get3A_15 = vector.load %arg2[%get3A_13, %get3A_14] : memref<10000x2xf32, #tpu.memory_space<vmem>>, vector<10000x1xf32>
    %get3A_16 = arith.constant 0 : index
    %get3A_17 = arith.constant 1 : index
    %get3A_18 = vector.load %arg2[%get3A_16, %get3A_17] : memref<10000x2xf32, #tpu.memory_space<vmem>>, vector<10000x1xf32>
    %add3A_19 = arith.addf %get3A_15, %get3A_18 : vector<10000x1xf32>
    %add3A_20 = arith.constant 1.000000e+00 : f32
    %add3A_21 = vector.broadcast %add3A_20 : f32 to vector<10000x1xf32>
    %add3A_22 = arith.addf %add3A_19, %add3A_21 : vector<10000x1xf32>
    %rsqrt3A = math.rsqrt %add3A_22 : vector<10000x1xf32>
    %mul3A = vector.broadcast %rsqrt3A : vector<10000x1xf32> to vector<10000x128xf32>
    %mul3A_23 = arith.mulf %add3A_12, %mul3A : vector<10000x128xf32>
    %get3A_24 = arith.constant 0 : index
    %get3A_25 = arith.constant 0 : index
    %get3A_26 = vector.load %arg3[%get3A_24, %get3A_25] : memref<1x128xf32, #tpu.memory_space<vmem>>, vector<1x128xf32>
    %add3A_27 = vector.broadcast %get3A_26 : vector<1x128xf32> to vector<10000x128xf32>
    %add3A_28 = arith.addf %mul3A_23, %add3A_27 : vector<10000x128xf32>
    %max3A = arith.constant 0.000000e+00 : f32
    %max3A_29 = vector.broadcast %max3A : f32 to vector<10000x128xf32>
    %max3A_30 = arith.maximumf %add3A_28, %max3A_29 : vector<10000x128xf32>
    %get3A_31 = arith.constant 0 : index
    %get3A_32 = arith.constant 0 : index
    %get3A_33 = vector.load %arg4[%get3A_31, %get3A_32] : memref<128x1xf32, #tpu.memory_space<vmem>>, vector<128x1xf32>
    %dot_general3A = arith.constant dense<0.000000e+00> : vector<10000x1xf32>
    %dot_general3A_34 = tpu.matmul %max3A_30, %get3A_33, %dot_general3A {dimension_numbers = #tpu.dot_dimension_numbers<[1], [0], [0], [1], [0, 0, 1, 1], [], []>, transpose_lhs_hint = false} : vector<10000x128xf32>, vector<128x1xf32>, vector<10000x1xf32> -> vector<10000x1xf32>
    %get3A_35 = arith.constant 0 : index
    %get3A_36 = arith.constant 0 : index
    %get3A_37 = vector.load %arg5[%get3A_35, %get3A_36] : memref<1x1xf32, #tpu.memory_space<vmem>>, vector<1x1xf32>
    %add3A_38 = vector.broadcast %get3A_37 : vector<1x1xf32> to vector<10000x1xf32>
    %add3A_39 = arith.addf %dot_general3A_34, %add3A_38 : vector<10000x1xf32>
    %logistic3A = arith.negf %add3A_39 : vector<10000x1xf32>
    %logistic3A_40 = math.exp %logistic3A : vector<10000x1xf32>
    %logistic3A_41 = arith.constant 1.000000e+00 : f32
    %logistic3A_42 = vector.broadcast %logistic3A_41 : f32 to vector<10000x1xf32>
    %logistic3A_43 = arith.addf %logistic3A_42, %logistic3A_40 : vector<10000x1xf32>
    %logistic3A_44 = arith.divf %logistic3A_42, %logistic3A_43 : vector<10000x1xf32>
    %swap3A = arith.constant 0 : index
    %swap3A_45 = arith.constant 0 : index
    %swap3A_46 = vector.load %arg6[%swap3A, %swap3A_45] : memref<10000x1xf32, #tpu.memory_space<vmem>>, vector<10000x1xf32>
    tpu.vector_store %arg6[%swap3A, %swap3A_45], %logistic3A_44 {strides = array<i32>} : memref<10000x1xf32, #tpu.memory_space<vmem>>, vector<10000x1xf32>,
    return
  }
}

</mosaic_0001>

<sc_bundles>
// kernel: kernel.6.cloned.1.call-start
scs
__scs_entry_jumppad:
0x0: {  	(pc) =	sbr.rel $0x88, $3  }
0x1: {  	(tag) =	ssettag $0x0;
	lr =	simm.s32 $0x1  }
0x2: {  	[smem:$0x3F9B] =	sst lr;
	_ =	strace $0xD0000000  }
0x3: {  	_ = 	snop  }
0x4: {  	_ = 	snop  }
0x5: {  	_ = 	snop  }
0x6: {  	_ = 	snop  }
0x7: {  	_ = 	snop  }
__scs_overlays_trampoline_lowered:
0x8: {  	[smem:$0x3FAA] =	sst s0  }
0x9: {  	[smem:$0x3FAB] =	sst s1  }
0xa: {  	[smem:$0x3FAC] =	sst s2  }
0xb: {  	[smem:$0x3FAD] =	sst s3  }
0xc: {  	[smem:$0x3FAE] =	sst s4  }
0xd: {  	[smem:$0x3FAF] =	sst s5  }
0xe: {  	[smem:$0x3FB0] =	sst s6  }
0xf: {  	[smem:$0x3FB1] =	sst s7  }
0x10: {  	[smem:$0x3FB2] =	sst s8  }
0x11: {  	[smem:$0x3FB3] =	sst s9;
	s0 =	simm.s32 @!p0 $0x0  }
0x12: {  	s1 =	sld [smem:$0x3F99];
	s0 =	simm.s32 @p0 $0x1  }
0x13: {  	[smem:$0x3FB4] =	sst s0;
	s0 =	simm.s32 @!p1 $0x0  }
0x14: {  	s2 =	sld [smem:$0x3F98];
	s0 =	simm.s32 @p1 $0x1  }
0x15: {  	[smem:$0x3FB5] =	sst s0;
	s0 =	simm.s32 @!p2 $0x0  }
0x16: {  	s3 =	sld [smem:$0x3FDB];
	s0 =	simm.s32 @p2 $0x1  }
0x17: {  	s4 =	simm.s32 $0x1BF5;
	[smem:$0x3FB7] =	sst s0  }
0x18: {  	s0 =	sld [smem:$0x3F9A];
	_ =	swait.ge [sflag:s4], $0x0  }
0x19: {  	s7 =	sld [smem:$0x3F9B]  }
0x1a: {  	s8 =	sadd.s32 $0xFFFFE003, lr  }
0x1b: {  	s9 =	sadd.s32 $0xFFFFFEF7, lr;
	s5 =	simm.s32 $0xFFFFFFFF;
	p2 =	slt.u32 s8, $0xFFFFF086  }
0x1c: {  	p1 =	slt.u32 s9, $0xF7A;
	s5 =	simm.s32 @!p2 $0x0  }
0x1d: {  	s5 =	simm.s32 @p1 $0x1;
	p0 =	seq.s32 s7, s2  }
0x1e: {  	s7 =	smul.u32 @!p0 $0xF7A, s2;
	p2 =	seq.s32 @!p0 s5, $0x0  }
0x1f: {  	s9 =	smul.u32 $0xF7A, s1;
	s8 =	simm.s32 @!p0 $0x1BF5;
	p2 =	por !p2, p0  }
0x20: {  	[sflag:s8] =	ssyncset.s32 @!p0 $0xFFFFF086;
	s6 =	sadd.s32 @!p0 s3, s7;
	s7 =	simm.s32 @!p0 $0x108  }
0x21: {  	s3 =	sadd.s32 s3, s9;
	s6 =	sadd.s32 @!p0 $0x88, s6;
	s7 =	simm.s32 @p2 $0x1082  }
0x22: {  	[simem:s7], [sflag:s8] =	dma.local @!p0 [hbm:s6], $0xF7A  }
0x23: {  	s9 =	sor.u32 $0xD0000000, s2;
	s6 =	simm.s32 $0x108;
	_ =	swait.ge @!p0 [sflag:s8], $0x0  }
0x24: {  	s3 =	sadd.s32 $0x88, s3;
	s6 =	simm.s32 @!p1 $0x1082;
	[sflag:s4] =	ssyncset.s32 $0xFFFFF086  }
0x25: {  	[simem:s6], [sflag:s4] =	dma.local [hbm:s3], $0xF7A  }
0x26: {  	[smem:$0x3F9B] =	sst s1;
	(tag) =	ssettag s2;
	_ =	strace s9  }
0x27: {  	s1 =	sld [smem:$0x3FAB]  }
0x28: {  	s2 =	sld [smem:$0x3FAC]  }
0x29: {  	s4 =	sld [smem:$0x3FAE]  }
0x2a: {  	p0 =	seq.s32 s5, $0x0;
	s5 =	sld [smem:$0x3FAF]  }
0x2b: {  	s6 =	sld [smem:$0x3FB0]  }
0x2c: {  	s7 =	sld [smem:$0x3FB1]  }
0x2d: {  	s3 =	simm.s32 $0x108;
	s8 =	sld [smem:$0x3FB2]  }
0x2e: {  	s3 =	simm.s32 @!p0 $0x1082;
	s9 =	sld [smem:$0x3FB3]  }
0x2f: {  	lr =	sadd.s32 s0, s3;
	s0 =	sld [smem:$0x3FAA]  }
0x30: {  	s3 =	sld [smem:$0x3FAD]  }
0x31: {  	[smem:$0x3FB6] =	sst s10  }
0x32: {  	s10 =	sld [smem:$0x3FB4];
	_ =	sdelay $0x3  }
0x33: {  	p0 =	seq.s32 s10, $0x1;
	s10 =	sld [smem:$0x3FB6];
	_ =	sdelay $0x3  }
0x34: {  	[smem:$0x3FB6] =	sst s10  }
0x35: {  	s10 =	sld [smem:$0x3FB5];
	_ =	sdelay $0x3  }
0x36: {  	p1 =	seq.s32 s10, $0x1;
	s10 =	sld [smem:$0x3FB6];
	_ =	sdelay $0x3  }
0x37: {  	[smem:$0x3FB6] =	sst s10  }
0x38: {  	s10 =	sld [smem:$0x3FB7]  }
0x39: {  	_ = 	snop;
	(pc) =	sbr.ind lr, $3  }
0x3a: {  	_ = 	snop  }
0x3b: {  	_ = 	snop  }
0x3c: {  	p2 =	seq.s32 s10, $0x1;
	s10 =	sld [smem:$0x3FB6]  }
0x3d: {  	_ =	shalt  }
0x3e: {  	_ =	shalt  }
0x3f: {  	_ =	shalt  }
0x40: {  	_ =	shalt  }
0x41: {  	_ =	shalt  }
0x42: {  	_ =	shalt  }
0x43: {  	_ =	shalt  }
0x44: {  	_ =	shalt  }
0x45: {  	_ =	shalt  }
0x46: {  	_ =	shalt  }
0x47: {  	_ =	shalt  }
0x48: {  	_ =	shalt  }
0x49: {  	_ =	shalt  }
0x4a: {  	_ =	shalt  }
0x4b: {  	_ =	shalt  }
0x4c: {  	_ =	shalt  }
0x4d: {  	_ =	shalt  }
0x4e: {  	_ =	shalt  }
0x4f: {  	_ =	shalt  }
0x50: {  	_ =	shalt  }
0x51: {  	_ =	shalt  }
0x52: {  	_ =	shalt  }
0x53: {  	_ =	shalt  }
0x54: {  	_ =	shalt  }
0x55: {  	_ =	shalt  }
0x56: {  	_ =	shalt  }
0x57: {  	_ =	shalt  }
0x58: {  	_ =	shalt  }
0x59: {  	_ =	shalt  }
0x5a: {  	_ =	shalt  }
0x5b: {  	_ =	shalt  }
0x5c: {  	_ =	shalt  }
0x5d: {  	_ =	shalt  }
0x5e: {  	_ =	shalt  }
0x5f: {  	_ =	shalt  }
0x60: {  	_ =	shalt  }
0x61: {  	_ =	shalt  }
0x62: {  	_ =	shalt  }
0x63: {  	_ =	shalt  }
0x64: {  	_ =	shalt  }
0x65: {  	_ =	shalt  }
0x66: {  	_ =	shalt  }
0x67: {  	_ =	shalt  }
0x68: {  	_ =	shalt  }
0x69: {  	_ =	shalt  }
0x6a: {  	_ =	shalt  }
0x6b: {  	_ =	shalt  }
0x6c: {  	_ =	shalt  }
0x6d: {  	_ =	shalt  }
0x6e: {  	_ =	shalt  }
0x6f: {  	_ =	shalt  }
0x70: {  	_ =	shalt  }
0x71: {  	_ =	shalt  }
0x72: {  	_ =	shalt  }
0x73: {  	_ =	shalt  }
0x74: {  	_ =	shalt  }
0x75: {  	_ =	shalt  }
0x76: {  	_ =	shalt  }
0x77: {  	_ =	shalt  }
0x78: {  	_ =	shalt  }
0x79: {  	_ =	shalt  }
0x7a: {  	_ =	shalt  }
0x7b: {  	_ =	shalt  }
0x7c: {  	_ =	shalt  }
0x7d: {  	_ =	shalt  }
0x7e: {  	_ =	shalt  }
0x7f: {  	_ =	shalt  }
0x80: {  	_ =	shalt  }
0x81: {  	_ =	shalt  }
0x82: {  	_ =	shalt  }
0x83: {  	_ =	shalt  }
0x84: {  	_ =	shalt  }
0x85: {  	_ =	shalt  }
0x86: {  	_ =	shalt  }
0x87: {  	_ =	shalt  }
.Lfunc_end0:
.L_simem_size_0:
called_computation_lowered:
.L_overlay_start_0:
0x88: {  	s2 =	sld [smem:$0x3FD9]  }
0x89: {  	s3 =	sld [smem:$0x3FFE];
	_ =	sdelay $0x1  }
0x8a: {  	s1 =	srdreg.scid  }
0x8b: {  	s0 =	sand.u32 $0x1, s1  }
0x8c: {  	s17 =	sshll.u32 s0, $0xA;
	s2 =	sadd.s32 s3, s2  }
0x8d: {  	s2 =	sadd.s32 s2, s17  }
0x8e: {  	[smem:$0x3FC2] =	sst s2  }
0x8f: {  	_ = 	snop  }
0x90: {  	s2 =	sld [smem:$0x3FD0];
	(tm) =	ssettm $0x1  }
0x91: {  	s18 =	sld [smem:$0x3FFB];
	_ =	sdelay $0x3  }
0x92: {  	_ =	strace s18  }
0x93: {  	s3 =	sld [smem:$0x3FFC];
	_ =	sdelay $0x3  }
0x94: {  	_ =	strace s3  }
0x95: {  	s3 =	sld [smem:$0x3FFD];
	_ =	sdelay $0x3  }
0x96: {  	_ =	strace s3  }
0x97: {  	_ =	strace $0x8FFFFFFF  }
0x98: {  	s19 =	sld [smem:$0x3FDB];
	_ =	sdelay $0x1  }
0x99: {  	s4 =	simm.s32 $_scs_section_size  }
0x9a: {  	s5 =	simm.s32 $_size__tile_overlayer_lowered;
	s6 =	simm.s32 $_tile_overlayer_lowered  }
0x9b: {  	s22 =	simm.s32 $0x1BFF;
	s21 =	sshll.u32 s6, $0x1;
	s3 =	sadd.s32 s4, s19  }
0x9c: {  	s7 =	simm.s32 $0x0;
	s20 =	sshll.u32 s5, $0x1;
	s5 =	sadd.s32 s21, s3  }
0x9d: {  	[timem:s7], [sflag:s22] =	dma.local [hbm:s5], s20  }
0x9e: {  	_ =	swait.ge [sflag:s22], s20  }
0x9f: {  	s4 =	ssub.s32 $0x0, s20;
	[sflag:s22] =	ssyncset.done $0x0  }
0xa0: {  	[sflag:s22] =	ssyncadd.s32 s4;
	_ =	sdelay $0x1  }
0xa1: {  	s23 =	simm.s32 $0x1B8B  }
0xa2: {  	_ =	swait.ge [sflag:s23], $0x1  }
0xa3: {  	[sflag:s23] =	ssyncset.done $0x0  }
0xa4: {  	s25 =	simm.s32 $0x1B8E;
	s24 =	sld [smem:$0x3FFE];
	[sflag:s23] =	ssyncadd.s32 $0xFFFFFFFF  }
0xa5: {  	s26 =	simm.s32 $execute0_lowered;
	[smem:$0x3FD2] =	sst s25  }
0xa6: {  	s5 =	sshll.u32 s26, $0x1;
	_ =	strace $0x80000046;
	[dreg:$0x1] =	wrdreg $0xFFFFFFFF  }
0xa7: {  	s28 =	simm.s32 $_size_execute0_lowered;
	s3 =	sadd.s32 s3, s5;
	[dreg:$0x0] =	wrdreg $0x0  }
0xa8: {  	s5 =	sshll.u32 s28, $0x1;
	[dreg:$0x2] =	wrdreg s3  }
0xa9: {  	[dreg:$0x3] =	wrdreg s5  }
0xaa: {  	[dreg:$0x4] =	wrdreg $0xC0  }
0xab: {  	_ =	task [dreg:s7], $0x5FFFF  }
0xac: {  	[dreg:$0x1] =	wrdreg $0xFFFFFFFF  }
0xad: {  	[dreg:$0x0] =	wrdreg $0x60  }
0xae: {  	[dreg:$0x2] =	wrdreg s24  }
0xaf: {  	[dreg:$0x3] =	wrdreg s2  }
0xb0: {  	[dreg:$0x4] =	wrdreg $0x2B000  }
0xb1: {  	[dreg:$0x5] =	wrdreg $0x9  }
0xb2: {  	_ =	task.clear_ibuf [dreg:s7], $0x6FFFF;
	_ =	strace $0x90000046  }
0xb3: {  	s29 =	simm.s32 $0x9;
	_ =	strace $0x80000048  }
0xb4: {  	_ =	swait.ge [sflag:s29], $0x1  }
0xb5: {  	[sflag:s29] =	ssyncadd.s32 $0xFFFFFFFF  }
0xb6: {  	_ =	strace $0x90000048  }
0xb7: {  	_ =	sfence  }
0xb8: {  	s30 =	sld [smem:$0x0];
	_ =	sdelay $0x2  }
0xb9: {  	s31 =	sshll.u32 s1, $0xD;
	s1 =	sshrl.u32 s1, $0x2  }
0xba: {  	s3 =	sand.u32 $0x4000, s31;
	s1 =	sadd.s32 s1, s30  }
0xbb: {  	s0 =	sor.u32 s3, s0;
	s1 =	sshll.u32 s1, $0x11  }
0xbc: {  	s0 =	sor.u32 s1, s0  }
0xbd: {  	s0 =	sadd.s32 $0x8F2B, s0  }
0xbe: {  	[sflag:s0] =	ssyncadd.remote.s32 $0x1  }
0xbf: {  	_ =	sfence.sel $0xFFFF  }
0xc0: {  	[dreg:$0x0] =	wrdreg $0xFFFFFFFF;
	(pc) =	sbr.abs _section_cstart, $3  }
0xc1: {  	[dreg:$0x1] =	wrdreg $0xFFFFFFFF  }
0xc2: {  	_ =	task.clear_ibuf [dreg:s7], $0x2FFFF;
	_ =	strace $0x9FFFFFFF  }
0xc3: {  	(tm) =	ssettm $0x7FFFFFFF  }
tec
execute0_lowered:
.L_overlay_start_1:
0x0: {  	(tag) =	ssettag $0x1  }
0x1: {  	s6 =	rddreg [dreg:$0x0]  }
0x2: {  	s1 =	srdreg.scid;
	s2 =	rddreg [dreg:$0x1]  }
0x3: {  	s0 =	stileid.u32;
	s3 =	rddreg [dreg:$0x2];
	s4 =	simm.s32 $0x0  }
0x4: {  	s12 =	simm.s32 $0x2800;
	s13 =	simm.s32 $0x80;
	s16 =	simm.s32 $0x20  }
0x5: {  	s17 =	simm.s32 $0x10;
	s18 =	simm.s32 $0x0;
	s7 =	sand.u32 $0x1, s1  }
0x6: {  	s29 =	sshll.u32 s0, $0x1;
	s1 =	rddreg [dreg:$0x3];
	s8 =	smul.u32 $0x500, s0  }
0x7: {  	[smem:$0x7FF] =	sst s4;
	s30 =	smul.u32 $0xA00, s0;
	s14 =	sshll.u32 s0, $0x6  }
0x8: {  	s5 =	sor.u32 s7, s29;
	_ =	strace $0x80000047;
	s9 =	sshll.u32 s7, $0x7  }
0x9: {  	s7 =	ssub.s32 $0x2, s7;
	s14 =	sor.u32 $0x1C01, s14;
	s5 =	smul.u32 $0x500, s5  }
0xa: {  	s8 =	sor.u32 s9, s8;
	s31 =	sshrl.u32 s7, $0x1;
	s9 =	sshrl.u32 s30, $0x2  }
0xb: {  	s8 =	sshrl.u32 s8, $0x3;
	s11 =	ssub.s32 s7, s31;
	s7 =	sadd.s32 s9, s3  }
0xc: {  	s10 =	sadd.s32 s5, s6;
	s5 =	sadd.s32 $0x15A00, s6;
	s8 =	sadd.s32 s8, s6  }
0xd: {  	s9 =	smax.u32 s11, $0x1;
	s11 =	simm.s32 $0x1;
	s15 =	sshrl.u32 s7, $0x3  }
0xe: {  	s6 =	sadd.s32 $0xBA00, s10;
	s8 =	sadd.s32 $0x15C00, s8;
	s10 =	simm.s32 $0x2880  }
.LBB2_1:
0xf: {  	[tilespmem:s10], [sflag:$0x1] =	stream.linear.gather [hbm4b:s2+s4], $0x280, $0x38;
	[tilespmem:$0x2D80] =	vst v63  }
0x10: {  	_ =	swait.ge [sflag:s11], $0x280  }
0x11: {  	[sflag:s11] =	ssyncset.done $0x0  }
0x12: {  	[sflag:s11] =	ssyncadd.s32 $0xFFFFFD80  }
0x13: {  	[tilespmem:s12], [sflag:$0x1] =	stream.linear.gather [hbm4b:s5+s4], $0x80, $0x38;
	[tilespmem:$0x2D80] =	vst v63  }
0x14: {  	_ =	swait.ge [sflag:s11], $0x80  }
0x15: {  	[sflag:s11] =	ssyncset.done $0x0  }
0x16: {  	[sflag:s11] =	ssyncadd.s32 $0xFFFFFF80  }
0x17: {  	[tilespmem:s4], [sflag:$0x1] =	stream.linear.gather [hbm4b:s6+s4], $0x2800, $0x38;
	[tilespmem:$0x2D80] =	vst v63  }
0x18: {  	_ =	swait.ge [sflag:s11], $0x2800  }
0x19: {  	[sflag:s11] =	ssyncset.done $0x0  }
0x1a: {  	[sflag:s11] =	ssyncadd.s32 $0xFFFFD800  }
0x1b: {  	[spmem:s7] =	stream.linear.scatter [tilespmem:s10], [sflag:$0x1], $0x280, $0x38;
	[tilespmem:$0x2D80] =	vst v63  }
0x1c: {  	_ =	swait.ge [sflag:s11], $0x280  }
0x1d: {  	[sflag:s11] =	ssyncset.done $0x0  }
0x1e: {  	[sflag:s11] =	ssyncadd.s32 $0xFFFFFD80  }
0x1f: {  	s19 =	simm.s32 $0x0;
	[bflag:$0x0] =	sbarrier.arrive $0xFFFF  }
0x20: {  	[spmem:s3] =	stream.indirect.scatter.add.f32 [tilespmem:s12], [sflag:$0x1], $0x1, s19, s13, $0xb8;
	[tilespmem:$0x2D80] =	vst v63  }
0x21: {  	_ =	swait.ge [sflag:s11], $0x80  }
0x22: {  	s19 =	simm.s32 $0x200;
	[sflag:s11] =	ssyncset.done $0x0  }
.LBB2_2:
0x23: {  	s20 =	sshra.s32 s19, $0x2;
	[sflag:s11] =	ssyncadd.s32 $0xFFFFFF80;
	p0 =	sne.s32 s19, $0x9E00  }
0x24: {  	[spmem:s3] =	stream.indirect.scatter.add.f32 [tilespmem:s12], [sflag:$0x1], $0x1, s20, s13, $0xb8;
	[tilespmem:$0x2D80] =	vst v63  }
.Ltmp0:
0x25: {  	_ = 	snop;
	(pc) =	sbr.rel @p0 .LBB2_2-.Ltmp0, $4  }
0x26: {  	_ = 	snop  }
0x27: {  	s19 =	sadd.s32 $0x200, s19  }
0x28: {  	_ =	swait.ge [sflag:s11], $0x80  }
0x29: {  	[sflag:s11] =	ssyncset.done $0x0  }
0x2a: {  	s18 =	sadd.s32 $0x1, s18  }
0x2b: {  	[sflag:s11] =	ssyncadd.s32 $0xFFFFFF80;
	p0 =	sne.s32 s18, s9  }
.Ltmp1:
0x2c: {  	[bflag:$0x0] =	sbarrier.arrive $0xFFFF;
	(pc) =	sbr.rel @p0 .LBB2_1-.Ltmp1, $4  }
0x2d: {  	[hbm:s8@s16], [sflag:s14] =	dma.strided [spmem:s15@s17], $0x50, s11, $0x10   }
0x2e: {  	_ =	swait.ge [sflag:s11], $0x50  }
0x2f: {  	[sflag:s11] =	ssyncset.done $0x0  }
0x30: {  	[sflag:s11] =	ssyncadd.s32 $0xFFFFFFB0  }
0x31: {  	_ =	sfence.sel $0x180000  }
0x32: {  	[bflag:$0x0] =	sbarrier.arrive $0xFFFF  }
0x33: {  	p0 =	sne.s32 s0, $0x0;
	_ =	strace $0x90000047  }
0x34: {  	s0 =	sadd.s32 @!p0 $0x100000, s1;
	[bflag:$0x2] =	sbarrier.arrive $0xFFFF  }
0x35: {  	[sflag:s0] =	ssyncadd.tile.s32 @!p0 $0x1;
	_ =	shalt  }
.Lfunc_end2:
_tile_overlayer_lowered:
.L_overlay_start_2:
0x36: {  	(tag) =	ssettag $0x2  }
0x37: {  	s0 =	rddreg [dreg:$0x0];
	s2 =	stileid.u32  }
0x38: {  	s1 =	rddreg [dreg:$0x1];
	p0 =	sne.s32 s2, $0x0  }
0x39: {  	s3 =	rddreg [dreg:$0x2];
	[bflag:$0x3] =	sbarrier.arrive $0xFFFF;
	s2 =	simm.s32 @!p0 $0x1C01  }
0x3a: {  	[timem:s3], [sflag:s2] =	dma.local @!p0 [hbm:s0], s1  }
0x3b: {  	s0 =	simm.s32 @!p0 $0x1  }
0x3c: {  	_ =	swait.ge @!p0 [sflag:s0], s1  }
0x3d: {  	s1 =	ssub.s32 @!p0 $0x0, s1;
	[sflag:s0] =	ssyncset.done @!p0 $0x0  }
0x3e: {  	[sflag:s0] =	ssyncadd.s32 @!p0 s1  }
0x3f: {  	[bflag:$0x3] =	sbarrier.arrive $0xFFFF  }
0x40: {  	_ =	shalt  }

// kernel: kernel.9.cloned.1.call-start
scs
__scs_entry_jumppad:
0x0: {  	(pc) =	sbr.rel $0x88, $3  }
0x1: {  	(tag) =	ssettag $0x0;
	lr =	simm.s32 $0x1  }
0x2: {  	[smem:$0x3F9B] =	sst lr;
	_ =	strace $0xD0000000  }
0x3: {  	_ = 	snop  }
0x4: {  	_ = 	snop  }
0x5: {  	_ = 	snop  }
0x6: {  	_ = 	snop  }
0x7: {  	_ = 	snop  }
__scs_overlays_trampoline_lowered:
0x8: {  	[smem:$0x3FAA] =	sst s0  }
0x9: {  	[smem:$0x3FAB] =	sst s1  }
0xa: {  	[smem:$0x3FAC] =	sst s2  }
0xb: {  	[smem:$0x3FAD] =	sst s3  }
0xc: {  	[smem:$0x3FAE] =	sst s4  }
0xd: {  	[smem:$0x3FAF] =	sst s5  }
0xe: {  	[smem:$0x3FB0] =	sst s6  }
0xf: {  	[smem:$0x3FB1] =	sst s7  }
0x10: {  	[smem:$0x3FB2] =	sst s8  }
0x11: {  	[smem:$0x3FB3] =	sst s9;
	s0 =	simm.s32 @!p0 $0x0  }
0x12: {  	s1 =	sld [smem:$0x3F99];
	s0 =	simm.s32 @p0 $0x1  }
0x13: {  	[smem:$0x3FB4] =	sst s0;
	s0 =	simm.s32 @!p1 $0x0  }
0x14: {  	s2 =	sld [smem:$0x3F98];
	s0 =	simm.s32 @p1 $0x1  }
0x15: {  	[smem:$0x3FB5] =	sst s0;
	s0 =	simm.s32 @!p2 $0x0  }
0x16: {  	s3 =	sld [smem:$0x3FDB];
	s0 =	simm.s32 @p2 $0x1  }
0x17: {  	s4 =	simm.s32 $0x1BF5;
	[smem:$0x3FB7] =	sst s0  }
0x18: {  	s0 =	sld [smem:$0x3F9A];
	_ =	swait.ge [sflag:s4], $0x0  }
0x19: {  	s7 =	sld [smem:$0x3F9B]  }
0x1a: {  	s8 =	sadd.s32 $0xFFFFE003, lr  }
0x1b: {  	s9 =	sadd.s32 $0xFFFFFEF7, lr;
	s5 =	simm.s32 $0xFFFFFFFF;
	p2 =	slt.u32 s8, $0xFFFFF086  }
0x1c: {  	p1 =	slt.u32 s9, $0xF7A;
	s5 =	simm.s32 @!p2 $0x0  }
0x1d: {  	s5 =	simm.s32 @p1 $0x1;
	p0 =	seq.s32 s7, s2  }
0x1e: {  	s7 =	smul.u32 @!p0 $0xF7A, s2;
	p2 =	seq.s32 @!p0 s5, $0x0  }
0x1f: {  	s9 =	smul.u32 $0xF7A, s1;
	s8 =	simm.s32 @!p0 $0x1BF5;
	p2 =	por !p2, p0  }
0x20: {  	[sflag:s8] =	ssyncset.s32 @!p0 $0xFFFFF086;
	s6 =	sadd.s32 @!p0 s3, s7;
	s7 =	simm.s32 @!p0 $0x108  }
0x21: {  	s3 =	sadd.s32 s3, s9;
	s6 =	sadd.s32 @!p0 $0x88, s6;
	s7 =	simm.s32 @p2 $0x1082  }
0x22: {  	[simem:s7], [sflag:s8] =	dma.local @!p0 [hbm:s6], $0xF7A  }
0x23: {  	s9 =	sor.u32 $0xD0000000, s2;
	s6 =	simm.s32 $0x108;
	_ =	swait.ge @!p0 [sflag:s8], $0x0  }
0x24: {  	s3 =	sadd.s32 $0x88, s3;
	s6 =	simm.s32 @!p1 $0x1082;
	[sflag:s4] =	ssyncset.s32 $0xFFFFF086  }
0x25: {  	[simem:s6], [sflag:s4] =	dma.local [hbm:s3], $0xF7A  }
0x26: {  	[smem:$0x3F9B] =	sst s1;
	(tag) =	ssettag s2;
	_ =	strace s9  }
0x27: {  	s1 =	sld [smem:$0x3FAB]  }
0x28: {  	s2 =	sld [smem:$0x3FAC]  }
0x29: {  	s4 =	sld [smem:$0x3FAE]  }
0x2a: {  	p0 =	seq.s32 s5, $0x0;
	s5 =	sld [smem:$0x3FAF]  }
0x2b: {  	s6 =	sld [smem:$0x3FB0]  }
0x2c: {  	s7 =	sld [smem:$0x3FB1]  }
0x2d: {  	s3 =	simm.s32 $0x108;
	s8 =	sld [smem:$0x3FB2]  }
0x2e: {  	s3 =	simm.s32 @!p0 $0x1082;
	s9 =	sld [smem:$0x3FB3]  }
0x2f: {  	lr =	sadd.s32 s0, s3;
	s0 =	sld [smem:$0x3FAA]  }
0x30: {  	s3 =	sld [smem:$0x3FAD]  }
0x31: {  	[smem:$0x3FB6] =	sst s10  }
0x32: {  	s10 =	sld [smem:$0x3FB4];
	_ =	sdelay $0x3  }
0x33: {  	p0 =	seq.s32 s10, $0x1;
	s10 =	sld [smem:$0x3FB6];
	_ =	sdelay $0x3  }
0x34: {  	[smem:$0x3FB6] =	sst s10  }
0x35: {  	s10 =	sld [smem:$0x3FB5];
	_ =	sdelay $0x3  }
0x36: {  	p1 =	seq.s32 s10, $0x1;
	s10 =	sld [smem:$0x3FB6];
	_ =	sdelay $0x3  }
0x37: {  	[smem:$0x3FB6] =	sst s10  }
0x38: {  	s10 =	sld [smem:$0x3FB7]  }
0x39: {  	_ = 	snop;
	(pc) =	sbr.ind lr, $3  }
0x3a: {  	_ = 	snop  }
0x3b: {  	_ = 	snop  }
0x3c: {  	p2 =	seq.s32 s10, $0x1;
	s10 =	sld [smem:$0x3FB6]  }
0x3d: {  	_ =	shalt  }
0x3e: {  	_ =	shalt  }
0x3f: {  	_ =	shalt  }
0x40: {  	_ =	shalt  }
0x41: {  	_ =	shalt  }
0x42: {  	_ =	shalt  }
0x43: {  	_ =	shalt  }
0x44: {  	_ =	shalt  }
0x45: {  	_ =	shalt  }
0x46: {  	_ =	shalt  }
0x47: {  	_ =	shalt  }
0x48: {  	_ =	shalt  }
0x49: {  	_ =	shalt  }
0x4a: {  	_ =	shalt  }
0x4b: {  	_ =	shalt  }
0x4c: {  	_ =	shalt  }
0x4d: {  	_ =	shalt  }
0x4e: {  	_ =	shalt  }
0x4f: {  	_ =	shalt  }
0x50: {  	_ =	shalt  }
0x51: {  	_ =	shalt  }
0x52: {  	_ =	shalt  }
0x53: {  	_ =	shalt  }
0x54: {  	_ =	shalt  }
0x55: {  	_ =	shalt  }
0x56: {  	_ =	shalt  }
0x57: {  	_ =	shalt  }
0x58: {  	_ =	shalt  }
0x59: {  	_ =	shalt  }
0x5a: {  	_ =	shalt  }
0x5b: {  	_ =	shalt  }
0x5c: {  	_ =	shalt  }
0x5d: {  	_ =	shalt  }
0x5e: {  	_ =	shalt  }
0x5f: {  	_ =	shalt  }
0x60: {  	_ =	shalt  }
0x61: {  	_ =	shalt  }
0x62: {  	_ =	shalt  }
0x63: {  	_ =	shalt  }
0x64: {  	_ =	shalt  }
0x65: {  	_ =	shalt  }
0x66: {  	_ =	shalt  }
0x67: {  	_ =	shalt  }
0x68: {  	_ =	shalt  }
0x69: {  	_ =	shalt  }
0x6a: {  	_ =	shalt  }
0x6b: {  	_ =	shalt  }
0x6c: {  	_ =	shalt  }
0x6d: {  	_ =	shalt  }
0x6e: {  	_ =	shalt  }
0x6f: {  	_ =	shalt  }
0x70: {  	_ =	shalt  }
0x71: {  	_ =	shalt  }
0x72: {  	_ =	shalt  }
0x73: {  	_ =	shalt  }
0x74: {  	_ =	shalt  }
0x75: {  	_ =	shalt  }
0x76: {  	_ =	shalt  }
0x77: {  	_ =	shalt  }
0x78: {  	_ =	shalt  }
0x79: {  	_ =	shalt  }
0x7a: {  	_ =	shalt  }
0x7b: {  	_ =	shalt  }
0x7c: {  	_ =	shalt  }
0x7d: {  	_ =	shalt  }
0x7e: {  	_ =	shalt  }
0x7f: {  	_ =	shalt  }
0x80: {  	_ =	shalt  }
0x81: {  	_ =	shalt  }
0x82: {  	_ =	shalt  }
0x83: {  	_ =	shalt  }
0x84: {  	_ =	shalt  }
0x85: {  	_ =	shalt  }
0x86: {  	_ =	shalt  }
0x87: {  	_ =	shalt  }
.Lfunc_end0:
.L_simem_size_0:
called_computation.1_lowered:
.L_overlay_start_0:
0x88: {  	s2 =	sld [smem:$0x3FD9]  }
0x89: {  	s3 =	sld [smem:$0x3FFE];
	_ =	sdelay $0x1  }
0x8a: {  	s1 =	srdreg.scid  }
0x8b: {  	s0 =	sand.u32 $0x1, s1  }
0x8c: {  	s16 =	sshll.u32 s0, $0xA;
	s2 =	sadd.s32 s3, s2  }
0x8d: {  	s2 =	sadd.s32 s2, s16  }
0x8e: {  	[smem:$0x3FC2] =	sst s2  }
0x8f: {  	_ = 	snop  }
0x90: {  	(tm) =	ssettm $0x1  }
0x91: {  	s17 =	sld [smem:$0x3FFB];
	_ =	sdelay $0x3  }
0x92: {  	_ =	strace s17  }
0x93: {  	s2 =	sld [smem:$0x3FFC];
	_ =	sdelay $0x3  }
0x94: {  	_ =	strace s2  }
0x95: {  	s2 =	sld [smem:$0x3FFD];
	_ =	sdelay $0x3  }
0x96: {  	_ =	strace s2  }
0x97: {  	_ =	strace $0x8FFFFFFF  }
0x98: {  	s18 =	sld [smem:$0x3FDB];
	_ =	sdelay $0x1  }
0x99: {  	s19 =	simm.s32 $_scs_section_size  }
0x9a: {  	s4 =	simm.s32 $_size__tile_overlayer_lowered;
	s5 =	simm.s32 $_tile_overlayer_lowered  }
0x9b: {  	s22 =	simm.s32 $0x1BFF;
	s21 =	sshll.u32 s5, $0x1;
	s2 =	sadd.s32 s19, s18  }
0x9c: {  	s6 =	simm.s32 $0x0;
	s20 =	sshll.u32 s4, $0x1;
	s4 =	sadd.s32 s21, s2  }
0x9d: {  	[timem:s6], [sflag:s22] =	dma.local [hbm:s4], s20  }
0x9e: {  	_ =	swait.ge [sflag:s22], s20  }
0x9f: {  	s3 =	ssub.s32 $0x0, s20;
	[sflag:s22] =	ssyncset.done $0x0  }
0xa0: {  	[sflag:s22] =	ssyncadd.s32 s3;
	_ =	sdelay $0x1  }
0xa1: {  	s23 =	simm.s32 $0x1B8B  }
0xa2: {  	_ =	swait.ge [sflag:s23], $0x1  }
0xa3: {  	[sflag:s23] =	ssyncset.done $0x0  }
0xa4: {  	s25 =	simm.s32 $0x1B8E;
	s24 =	sld [smem:$0x3FFE];
	[sflag:s23] =	ssyncadd.s32 $0xFFFFFFFF  }
0xa5: {  	s26 =	simm.s32 $execute0_lowered;
	[smem:$0x3FD2] =	sst s25  }
0xa6: {  	s4 =	sshll.u32 s26, $0x1;
	_ =	strace $0x80000049;
	[dreg:$0x1] =	wrdreg $0xFFFFFFFF  }
0xa7: {  	s28 =	simm.s32 $_size_execute0_lowered;
	s2 =	sadd.s32 s2, s4;
	[dreg:$0x0] =	wrdreg $0x0  }
0xa8: {  	s4 =	sshll.u32 s28, $0x1;
	[dreg:$0x2] =	wrdreg s2  }
0xa9: {  	[dreg:$0x3] =	wrdreg s4  }
0xaa: {  	[dreg:$0x4] =	wrdreg $0xC0  }
0xab: {  	_ =	task [dreg:s6], $0x5FFFF  }
0xac: {  	[dreg:$0x1] =	wrdreg $0xFFFFFFFF  }
0xad: {  	[dreg:$0x0] =	wrdreg $0x60  }
0xae: {  	[dreg:$0x2] =	wrdreg s24  }
0xaf: {  	[dreg:$0x3] =	wrdreg $0xA9000  }
0xb0: {  	[dreg:$0x4] =	wrdreg $0x9  }
0xb1: {  	_ =	task.clear_ibuf [dreg:s6], $0x5FFFF;
	_ =	strace $0x90000049  }
0xb2: {  	s29 =	simm.s32 $0x9;
	_ =	strace $0x8000004B  }
0xb3: {  	_ =	swait.ge [sflag:s29], $0x1  }
0xb4: {  	[sflag:s29] =	ssyncadd.s32 $0xFFFFFFFF  }
0xb5: {  	_ =	strace $0x9000004B  }
0xb6: {  	_ =	sfence  }
0xb7: {  	s30 =	sld [smem:$0x0];
	_ =	sdelay $0x2  }
0xb8: {  	s31 =	sshll.u32 s1, $0xD;
	s1 =	sshrl.u32 s1, $0x2  }
0xb9: {  	s3 =	sand.u32 $0x4000, s31;
	s1 =	sadd.s32 s1, s30  }
0xba: {  	s0 =	sor.u32 s3, s0;
	s1 =	sshll.u32 s1, $0x11  }
0xbb: {  	s0 =	sor.u32 s1, s0  }
0xbc: {  	s0 =	sadd.s32 $0x8F2B, s0  }
0xbd: {  	[sflag:s0] =	ssyncadd.remote.s32 $0x1  }
0xbe: {  	_ =	sfence.sel $0xFFFF  }
0xbf: {  	[dreg:$0x0] =	wrdreg $0xFFFFFFFF;
	(pc) =	sbr.abs _section_cstart, $3  }
0xc0: {  	[dreg:$0x1] =	wrdreg $0xFFFFFFFF  }
0xc1: {  	_ =	task.clear_ibuf [dreg:s6], $0x2FFFF;
	_ =	strace $0x9FFFFFFF  }
0xc2: {  	(tm) =	ssettm $0x7FFFFFFF  }
0xc3: {  	_ =	shalt  }
tec
execute0_lowered:
.L_overlay_start_1:
0x0: {  	(tag) =	ssettag $0x1  }
0x1: {  	s1 =	srdreg.scid;
	s16 =	stileid.u32  }
0x2: {  	s0 =	rddreg [dreg:$0x0];
	s2 =	sand.u32 $0x1, s1;
	s5 =	smul.u32 $0x14000, s16  }
0x3: {  	s1 =	simm.s32 $0x0;
	s4 =	sshll.u32 s16, $0x1;
	s3 =	smul.u32 $0x140000, s2  }
0x4: {  	s4 =	sor.u32 s2, s4;
	s6 =	ssub.s32 $0x2, s2;
	s2 =	smul.u32 $0x500, s2  }
0x5: {  	s8 =	sadd.s32 $0x3D400, s0;
	[smem:$0x7FF] =	sst s1;
	s4 =	smul.u32 $0x500, s4  }
0x6: {  	s9 =	sshrl.u32 s6, $0x1;
	s10 =	sadd.s32 $0x4000, s5;
	s7 =	sadd.s32 s3, s5  }
0x7: {  	s11 =	sadd.s32 $0x6000, s5;
	s15 =	sadd.s32 $0xA000, s5;
	s7 =	sshrl.u32 s7, $0x3  }
0x8: {  	s17 =	sadd.s32 $0xC000, s5;
	s6 =	ssub.s32 s6, s9;
	s7 =	sadd.s32 s8, s7  }
0x9: {  	s12 =	sadd.s32 s3, s10;
	[dreg:$0x3] =	wrdreg s7;
	s7 =	sor.u32 $0x2000, s5  }
0xa: {  	s13 =	sadd.s32 s3, s11;
	s26 =	sadd.s32 s3, s15;
	s21 =	sadd.s32 s3, s7  }
0xb: {  	s14 =	sadd.s32 s3, s17;
	s22 =	sshrl.u32 s12, $0x3;
	s9 =	sshrl.u32 s21, $0x3  }
0xc: {  	s23 =	sshrl.u32 s13, $0x3;
	s13 =	sshrl.u32 s26, $0x3;
	s9 =	sadd.s32 s8, s9  }
0xd: {  	s18 =	sshrl.u32 s14, $0x3;
	[dreg:$0x4] =	wrdreg s9;
	s9 =	sadd.s32 s8, s22  }
0xe: {  	s6 =	smax.u32 s6, $0x1;
	[dreg:$0x5] =	wrdreg s9;
	s9 =	sadd.s32 $0x8000, s5  }
0xf: {  	s24 =	sadd.s32 s8, s23;
	s19 =	sadd.s32 s8, s18;
	s25 =	sadd.s32 s3, s9  }
0x10: {  	s18 =	sadd.s32 $0x10000, s5;
	[dreg:$0x6] =	wrdreg s24;
	s12 =	sshrl.u32 s25, $0x3  }
0x11: {  	s23 =	smul.u32 $0xA00, s16;
	[dreg:$0x9] =	wrdreg s19;
	s12 =	sadd.s32 s8, s12  }
0x12: {  	s16 =	smul.u32 $0x50000, s16;
	[dreg:$0x7] =	wrdreg s12;
	s12 =	sadd.s32 s8, s13  }
0x13: {  	s24 =	sadd.s32 $0xBA00, s0;
	[dreg:$0x8] =	wrdreg s12;
	s12 =	sadd.s32 $0xE000, s5  }
0x14: {  	s26 =	sshrl.u32 s16, $0x2;
	s5 =	sadd.s32 $0x12000, s5;
	s20 =	sadd.s32 s3, s12  }
0x15: {  	s21 =	sadd.s32 s3, s18;
	s3 =	sadd.s32 s3, s5;
	s13 =	sshrl.u32 s20, $0x3  }
0x16: {  	s16 =	sadd.s32 $0x15A00, s0;
	s3 =	sshrl.u32 s3, $0x3;
	s13 =	sadd.s32 s8, s13  }
0x17: {  	s22 =	sshrl.u32 s21, $0x3;
	s3 =	sadd.s32 s8, s3;
	[dreg:$0xa] =	wrdreg s13  }
0x18: {  	s25 =	sadd.s32 s4, s0;
	s13 =	sadd.s32 s8, s22;
	[dreg:$0xc] =	wrdreg s3  }
0x19: {  	s0 =	sadd.s32 $0x3CC00, s0;
	s20 =	sadd.s32 s24, s4;
	[dreg:$0xb] =	wrdreg s13  }
0x1a: {  	s4 =	sadd.s32 $0x1A00, s25;
	s31 =	sadd.s32 $0x10, s20;
	s13 =	rddreg [dreg:$0x1]  }
0x1b: {  	s3 =	sadd.s32 s23, s24;
	_ =	strace $0x8000004A;
	[dreg:$0xd] =	wrdreg s0  }
0x1c: {  	s14 =	sadd.s32 s2, s3;
	[dreg:$0xe] =	wrdreg s4;
	s19 =	sadd.s32 s26, s13  }
0x1d: {  	[dreg:$0xf] =	wrdreg s6;
	s7 =	sadd.s32 s7, s13;
	s8 =	sadd.s32 s10, s13  }
0x1e: {  	s10 =	sadd.s32 s11, s13;
	s11 =	sadd.s32 s9, s13;
	s15 =	sadd.s32 s15, s13  }
0x1f: {  	s21 =	sadd.s32 s17, s13;
	s22 =	sadd.s32 s12, s13;
	s23 =	sadd.s32 s18, s13  }
0x20: {  	s5 =	sadd.s32 s5, s13;
	s4 =	simm.s32 $0x2900;
	s6 =	simm.s32 $0x2800  }
0x21: {  	s9 =	simm.s32 $0x6900;
	s12 =	simm.s32 $0x1;
	s17 =	simm.s32 $0x4  }
0x22: {  	s18 =	simm.s32 $0x2;
	s0 =	sshrl.u32 s7, $0x3;
	s24 =	sshrl.u32 s8, $0x3  }
0x23: {  	s25 =	sshrl.u32 s10, $0x3;
	s26 =	sshrl.u32 s11, $0x3;
	s28 =	sshrl.u32 s22, $0x3  }
0x24: {  	s29 =	sshrl.u32 s23, $0x3;
	s30 =	sshrl.u32 s5, $0x3;
	s11 =	sadd.s32 $0x4000, s19  }
0x25: {  	s2 =	sadd.s32 $0xC000, s19;
	s3 =	sadd.s32 $0x10000, s19;
	[dreg:$0x10] =	wrdreg s0  }
0x26: {  	s5 =	simm.s32 $0x5;
	s7 =	simm.s32 $0x2880;
	[dreg:$0x11] =	wrdreg s24  }
0x27: {  	s8 =	simm.s32 $0x80;
	s10 =	simm.s32 $0x3;
	[dreg:$0x12] =	wrdreg s25  }
0x28: {  	[dreg:$0x13] =	wrdreg s26;
	s25 =	sshrl.u32 s15, $0x3;
	s26 =	sshrl.u32 s21, $0x3  }
0x29: {  	s24 =	smov.u32 s20;
	s0 =	sadd.s32 $0x8000, s19;
	s20 =	simm.s32 $0x0  }
.LBB2_1:
0x2a: {  	s15 =	rddreg [dreg:$0xd]  }
0x2b: {  	[tilespmem:s4], [sflag:$0x5] =	stream.linear.gather [hbm4b:s15+s1], $0x4000, $0x38;
	[tilespmem:$0x1E900] =	vst v63  }
0x2c: {  	_ =	swait.ge [sflag:s5], $0x4000  }
0x2d: {  	[sflag:s5] =	ssyncset.done $0x0  }
0x2e: {  	s23 =	rddreg [dreg:$0xe];
	[sflag:s5] =	ssyncadd.s32 $0xFFFFC000  }
0x2f: {  	[tilespmem:s1], [sflag:$0x5] =	stream.linear.gather [hbm4b:s23+s1], $0x2800, $0x38;
	[tilespmem:$0x1E900] =	vst v63  }
0x30: {  	_ =	swait.ge [sflag:s5], $0x2800  }
0x31: {  	[sflag:s5] =	ssyncset.done $0x0  }
0x32: {  	[sflag:s5] =	ssyncadd.s32 $0xFFFFD800  }
0x33: {  	[spmem:s19] =	stream.linear.scatter [tilespmem:s4], [sflag:$0x5], $0x4000, $0x38;
	[tilespmem:$0x1E900] =	vst v63  }
0x34: {  	_ =	swait.ge [sflag:s5], $0x4000  }
0x35: {  	[sflag:s5] =	ssyncset.done $0x0  }
0x36: {  	[sflag:s5] =	ssyncadd.s32 $0xFFFFC000  }
0x37: {  	[spmem:s11] =	stream.linear.scatter [tilespmem:s4], [sflag:$0x5], $0x4000, $0x38;
	[tilespmem:$0x1E900] =	vst v63  }
0x38: {  	_ =	swait.ge [sflag:s5], $0x4000  }
0x39: {  	[sflag:s5] =	ssyncset.done $0x0  }
0x3a: {  	[sflag:s5] =	ssyncadd.s32 $0xFFFFC000  }
0x3b: {  	[spmem:s0] =	stream.linear.scatter [tilespmem:s4], [sflag:$0x5], $0x4000, $0x38;
	[tilespmem:$0x1E900] =	vst v63  }
0x3c: {  	_ =	swait.ge [sflag:s5], $0x4000  }
0x3d: {  	[sflag:s5] =	ssyncset.done $0x0  }
0x3e: {  	[sflag:s5] =	ssyncadd.s32 $0xFFFFC000  }
0x3f: {  	[spmem:s2] =	stream.linear.scatter [tilespmem:s4], [sflag:$0x5], $0x4000, $0x38;
	[tilespmem:$0x1E900] =	vst v63  }
0x40: {  	_ =	swait.ge [sflag:s5], $0x4000  }
0x41: {  	[sflag:s5] =	ssyncset.done $0x0  }
0x42: {  	[sflag:s5] =	ssyncadd.s32 $0xFFFFC000  }
0x43: {  	[spmem:s3] =	stream.linear.scatter [tilespmem:s4], [sflag:$0x5], $0x4000, $0x38;
	[tilespmem:$0x1E900] =	vst v63  }
0x44: {  	_ =	swait.ge [sflag:s5], $0x4000  }
0x45: {  	[sflag:s5] =	ssyncset.done $0x0  }
0x46: {  	[sflag:s5] =	ssyncadd.s32 $0xFFFFC000  }
0x47: {  	[bflag:$0x0] =	sbarrier.arrive $0xFFFF  }
0x48: {  	[tilespmem:s6], [sflag:$0x1] =	stream.linear.gather [hbm4b:s24+s1], $0x80, $0x38;
	[tilespmem:$0x1E900] =	vst v63  }
0x49: {  	_ = 	snop  }
0x4a: {  	[tilespmem:s7], [sflag:$0x2] =	stream.linear.gather [hbm4b:s31+s1], $0x80, $0x38;
	[tilespmem:$0x1E900] =	vst v63  }
0x4b: {  	_ = 	snop  }
0x4c: {  	[tilespmem:s4], [sflag:$0x3] =	stream.indirect.gather [hbm4b:s16+s8], $0x80, s1, s8, $0xb8;
	[tilespmem:$0x1E900] =	vst v63  }
0x4d: {  	s21 =	simm.s32 $0x80  }
0x4e: {  	[tilespmem:s9], [sflag:$0x4] =	stream.indirect.gather [hbm4b:s16+s8], $0x80, s21, s8, $0xb8;
	[tilespmem:$0x1E900] =	vst v63  }
0x4f: {  	_ =	swait.ge [sflag:s10], $0x4000  }
0x50: {  	[sflag:s10] =	ssyncset.done $0x0  }
0x51: {  	[sflag:s10] =	ssyncadd.s32 $0xFFFFC000  }
0x52: {  	_ =	swait.ge [sflag:s12], $0x80  }
0x53: {  	[sflag:s12] =	ssyncset.done $0x0  }
0x54: {  	[sflag:s12] =	ssyncadd.s32 $0xFFFFFF80  }
0x55: {  	[spmem:s13] =	stream.indirect.scatter.add.f32 [tilespmem:s4], [sflag:$0x5], $0x80, s6, s8, $0xb8;
	[tilespmem:$0x1E900] =	vst v63  }
0x56: {  	_ =	swait.ge [sflag:s5], $0x4000  }
0x57: {  	s21 =	sadd.s32 $0x0, s14;
	[sflag:s5] =	ssyncset.done $0x0  }
0x58: {  	s22 =	sadd.s32 $0x20, s21;
	[sflag:s5] =	ssyncadd.s32 $0xFFFFC000  }
0x59: {  	[tilespmem:s6], [sflag:$0x1] =	stream.linear.gather [hbm4b:s22+s1], $0x80, $0x38;
	[tilespmem:$0x1E900] =	vst v63  }
0x5a: {  	s23 =	simm.s32 $0x100  }
0x5b: {  	[tilespmem:s4], [sflag:$0x3] =	stream.indirect.gather [hbm4b:s16+s8], $0x80, s23, s8, $0xb8;
	[tilespmem:$0x1E900] =	vst v63  }
0x5c: {  	_ =	swait.ge [sflag:s17], $0x4000  }
0x5d: {  	[sflag:s17] =	ssyncset.done $0x0  }
0x5e: {  	[sflag:s17] =	ssyncadd.s32 $0xFFFFC000  }
0x5f: {  	_ =	swait.ge [sflag:s18], $0x80  }
0x60: {  	[sflag:s18] =	ssyncset.done $0x0  }
0x61: {  	[sflag:s18] =	ssyncadd.s32 $0xFFFFFF80  }
0x62: {  	[spmem:s13] =	stream.indirect.scatter.add.f32 [tilespmem:s9], [sflag:$0x5], $0x80, s7, s8, $0xb8;
	[tilespmem:$0x1E900] =	vst v63  }
0x63: {  	_ =	swait.ge [sflag:s5], $0x4000  }
0x64: {  	s15 =	simm.s32 $0x20;
	[sflag:s5] =	ssyncset.done $0x0  }
0x65: {  	s22 =	sadd.s32 $0x30, s21;
	s21 =	simm.s32 $0x200;
	[sflag:s5] =	ssyncadd.s32 $0xFFFFC000  }
.LBB2_2:
0x66: {  	[tilespmem:s7], [sflag:$0x2] =	stream.linear.gather [hbm4b:s22+s1], $0x80, $0x38;
	[tilespmem:$0x1E900] =	vst v63  }
0x67: {  	s22 =	smov.u32 s15  }
0x68: {  	s23 =	sadd.s32 $0xFFFFFF80, s21;
	p0 =	sne.s32 s15, $0x4C0;
	s15 =	sadd.s32 $0x20, s15  }
0x69: {  	[tilespmem:s9], [sflag:$0x4] =	stream.indirect.gather [hbm4b:s16+s8], $0x80, s23, s8, $0xb8;
	[tilespmem:$0x1E900] =	vst v63  }
0x6a: {  	_ =	swait.ge [sflag:s10], $0x4000  }
0x6b: {  	[sflag:s10] =	ssyncset.done $0x0  }
0x6c: {  	[sflag:s10] =	ssyncadd.s32 $0xFFFFC000  }
0x6d: {  	_ =	swait.ge [sflag:s12], $0x80  }
0x6e: {  	[sflag:s12] =	ssyncset.done $0x0  }
0x6f: {  	[sflag:s12] =	ssyncadd.s32 $0xFFFFFF80  }
0x70: {  	[spmem:s13] =	stream.indirect.scatter.add.f32 [tilespmem:s4], [sflag:$0x5], $0x80, s6, s8, $0xb8;
	[tilespmem:$0x1E900] =	vst v63  }
0x71: {  	_ =	swait.ge [sflag:s5], $0x4000  }
0x72: {  	s22 =	sadd.s32 s22, s14;
	[sflag:s5] =	ssyncset.done $0x0  }
0x73: {  	s23 =	sadd.s32 $0x20, s22;
	[sflag:s5] =	ssyncadd.s32 $0xFFFFC000  }
0x74: {  	[tilespmem:s6], [sflag:$0x1] =	stream.linear.gather [hbm4b:s23+s1], $0x80, $0x38;
	[tilespmem:$0x1E900] =	vst v63  }
0x75: {  	_ = 	snop  }
0x76: {  	[tilespmem:s4], [sflag:$0x3] =	stream.indirect.gather [hbm4b:s16+s8], $0x80, s21, s8, $0xb8;
	[tilespmem:$0x1E900] =	vst v63  }
0x77: {  	_ =	swait.ge [sflag:s17], $0x4000  }
0x78: {  	[sflag:s17] =	ssyncset.done $0x0  }
0x79: {  	[sflag:s17] =	ssyncadd.s32 $0xFFFFC000  }
0x7a: {  	_ =	swait.ge [sflag:s18], $0x80  }
0x7b: {  	[sflag:s18] =	ssyncset.done $0x0  }
.Ltmp0:
0x7c: {  	[sflag:s18] =	ssyncadd.s32 $0xFFFFFF80;
	(pc) =	sbr.rel @p0 .LBB2_2-.Ltmp0, $4  }
0x7d: {  	[spmem:s13] =	stream.indirect.scatter.add.f32 [tilespmem:s9], [sflag:$0x5], $0x80, s7, s8, $0xb8;
	[tilespmem:$0x1E900] =	vst v63  }
0x7e: {  	_ =	swait.ge [sflag:s5], $0x4000  }
0x7f: {  	[sflag:s5] =	ssyncset.done $0x0  }
0x80: {  	s22 =	sadd.s32 $0x30, s22;
	s21 =	sadd.s32 $0x100, s21;
	[sflag:s5] =	ssyncadd.s32 $0xFFFFC000  }
0x81: {  	[tilespmem:s7], [sflag:$0x2] =	stream.linear.gather [hbm4b:s22+s1], $0x80, $0x38;
	[tilespmem:$0x1E900] =	vst v63  }
0x82: {  	s15 =	simm.s32 $0x2780  }
0x83: {  	[tilespmem:s9], [sflag:$0x4] =	stream.indirect.gather [hbm4b:s16+s8], $0x80, s15, s8, $0xb8;
	[tilespmem:$0x1E900] =	vst v63  }
0x84: {  	_ =	swait.ge [sflag:s10], $0x4000  }
0x85: {  	[sflag:s10] =	ssyncset.done $0x0  }
0x86: {  	[sflag:s10] =	ssyncadd.s32 $0xFFFFC000  }
0x87: {  	_ =	swait.ge [sflag:s12], $0x80  }
0x88: {  	[sflag:s12] =	ssyncset.done $0x0  }
0x89: {  	[sflag:s12] =	ssyncadd.s32 $0xFFFFFF80  }
0x8a: {  	[spmem:s13] =	stream.indirect.scatter.add.f32 [tilespmem:s4], [sflag:$0x5], $0x80, s6, s8, $0xb8;
	[tilespmem:$0x1E900] =	vst v63  }
0x8b: {  	_ =	swait.ge [sflag:s5], $0x4000  }
0x8c: {  	[sflag:s5] =	ssyncset.done $0x0  }
0x8d: {  	[sflag:s5] =	ssyncadd.s32 $0xFFFFC000  }
0x8e: {  	_ =	swait.ge [sflag:s17], $0x4000  }
0x8f: {  	[sflag:s17] =	ssyncset.done $0x0  }
0x90: {  	[sflag:s17] =	ssyncadd.s32 $0xFFFFC000  }
0x91: {  	_ =	swait.ge [sflag:s18], $0x80  }
0x92: {  	[sflag:s18] =	ssyncset.done $0x0  }
0x93: {  	[sflag:s18] =	ssyncadd.s32 $0xFFFFFF80  }
0x94: {  	[spmem:s13] =	stream.indirect.scatter.add.f32 [tilespmem:s9], [sflag:$0x5], $0x80, s7, s8, $0xb8;
	[tilespmem:$0x1E900] =	vst v63  }
0x95: {  	_ =	swait.ge [sflag:s5], $0x4000  }
0x96: {  	[sflag:s5] =	ssyncset.done $0x0  }
0x97: {  	s22 =	stileid.u32;
	[sflag:s5] =	ssyncadd.s32 $0xFFFFC000  }
0x98: {  	s15 =	sshll.u32 s22, $0x6;
	[bflag:$0x0] =	sbarrier.arrive $0xFFFF  }
0x99: {  	s21 =	sshrl.u32 s19, $0x3;
	s15 =	sor.u32 $0x1C05, s15;
	s23 =	rddreg [dreg:$0x3]  }
0x9a: {  	[hbm:s23], [sflag:s15] =	dma.local [spmem:s21], $0x400  }
0x9b: {  	_ =	swait.ge [sflag:s5], $0x400  }
0x9c: {  	[sflag:s5] =	ssyncset.done $0x0;
	s22 =	rddreg [dreg:$0x4]  }
0x9d: {  	s23 =	rddreg [dreg:$0x10];
	[sflag:s5] =	ssyncadd.s32 $0xFFFFFC00  }
0x9e: {  	[hbm:s22], [sflag:s15] =	dma.local [spmem:s23], $0x400  }
0x9f: {  	_ =	swait.ge [sflag:s5], $0x400  }
0xa0: {  	[sflag:s5] =	ssyncset.done $0x0;
	s22 =	rddreg [dreg:$0x5]  }
0xa1: {  	s23 =	rddreg [dreg:$0x11];
	[sflag:s5] =	ssyncadd.s32 $0xFFFFFC00  }
0xa2: {  	[hbm:s22], [sflag:s15] =	dma.local [spmem:s23], $0x400  }
0xa3: {  	_ =	swait.ge [sflag:s5], $0x400  }
0xa4: {  	[sflag:s5] =	ssyncset.done $0x0;
	s22 =	rddreg [dreg:$0x6]  }
0xa5: {  	s23 =	rddreg [dreg:$0x12];
	[sflag:s5] =	ssyncadd.s32 $0xFFFFFC00  }
0xa6: {  	[hbm:s22], [sflag:s15] =	dma.local [spmem:s23], $0x400  }
0xa7: {  	_ =	swait.ge [sflag:s5], $0x400  }
0xa8: {  	[sflag:s5] =	ssyncset.done $0x0;
	s22 =	rddreg [dreg:$0x7]  }
0xa9: {  	s23 =	rddreg [dreg:$0x13];
	[sflag:s5] =	ssyncadd.s32 $0xFFFFFC00  }
0xaa: {  	[hbm:s22], [sflag:s15] =	dma.local [spmem:s23], $0x400  }
0xab: {  	_ =	swait.ge [sflag:s5], $0x400  }
0xac: {  	[sflag:s5] =	ssyncset.done $0x0  }
0xad: {  	s22 =	rddreg [dreg:$0x8];
	[sflag:s5] =	ssyncadd.s32 $0xFFFFFC00  }
0xae: {  	[hbm:s22], [sflag:s15] =	dma.local [spmem:s25], $0x400  }
0xaf: {  	_ =	swait.ge [sflag:s5], $0x400  }
0xb0: {  	[sflag:s5] =	ssyncset.done $0x0  }
0xb1: {  	s23 =	rddreg [dreg:$0x9];
	[sflag:s5] =	ssyncadd.s32 $0xFFFFFC00  }
0xb2: {  	[hbm:s23], [sflag:s15] =	dma.local [spmem:s26], $0x400  }
0xb3: {  	_ =	swait.ge [sflag:s5], $0x400  }
0xb4: {  	[sflag:s5] =	ssyncset.done $0x0  }
0xb5: {  	s22 =	rddreg [dreg:$0xa];
	[sflag:s5] =	ssyncadd.s32 $0xFFFFFC00  }
0xb6: {  	[hbm:s22], [sflag:s15] =	dma.local [spmem:s28], $0x400  }
0xb7: {  	_ =	swait.ge [sflag:s5], $0x400  }
0xb8: {  	[sflag:s5] =	ssyncset.done $0x0  }
0xb9: {  	s23 =	rddreg [dreg:$0xb];
	[sflag:s5] =	ssyncadd.s32 $0xFFFFFC00  }
0xba: {  	[hbm:s23], [sflag:s15] =	dma.local [spmem:s29], $0x400  }
0xbb: {  	_ =	swait.ge [sflag:s5], $0x400  }
0xbc: {  	[sflag:s5] =	ssyncset.done $0x0  }
0xbd: {  	s22 =	rddreg [dreg:$0xc];
	[sflag:s5] =	ssyncadd.s32 $0xFFFFFC00  }
0xbe: {  	[hbm:s22], [sflag:s15] =	dma.local [spmem:s30], $0x400  }
0xbf: {  	_ =	swait.ge [sflag:s5], $0x400  }
0xc0: {  	s20 =	sadd.s32 $0x1, s20;
	s23 =	rddreg [dreg:$0xf]  }
0xc1: {  	p0 =	sne.s32 s20, s23  }
.Ltmp1:
0xc2: {  	_ = 	snop;
	(pc) =	sbr.rel @p0 .LBB2_1-.Ltmp1, $3  }
0xc3: {  	_ =	sdelay $0x1  }
0xc4: {  	[sflag:s5] =	ssyncset.done $0x0  }
0xc5: {  	[sflag:s5] =	ssyncadd.s32 $0xFFFFFC00  }
0xc6: {  	_ =	sfence.sel $0x180000  }
0xc7: {  	[bflag:$0x0] =	sbarrier.arrive $0xFFFF  }
0xc8: {  	_ =	strace $0x9000004A  }
0xc9: {  	s0 =	stileid.u32;
	[bflag:$0x2] =	sbarrier.arrive $0xFFFF  }
0xca: {  	p0 =	sne.s32 s0, $0x0;
	s0 =	rddreg [dreg:$0x2]  }
0xcb: {  	s0 =	sadd.s32 @!p0 $0x100000, s0  }
0xcc: {  	[sflag:s0] =	ssyncadd.tile.s32 @!p0 $0x1;
	_ =	shalt  }
.Lfunc_end2:
_tile_overlayer_lowered:
.L_overlay_start_2:
0xcd: {  	(tag) =	ssettag $0x2  }
0xce: {  	s0 =	rddreg [dreg:$0x0];
	s2 =	stileid.u32  }
0xcf: {  	s1 =	rddreg [dreg:$0x1];
	p0 =	sne.s32 s2, $0x0  }
0xd0: {  	s3 =	rddreg [dreg:$0x2];
	[bflag:$0x3] =	sbarrier.arrive $0xFFFF;
	s2 =	simm.s32 @!p0 $0x1C05  }
0xd1: {  	[timem:s3], [sflag:s2] =	dma.local @!p0 [hbm:s0], s1  }
0xd2: {  	s0 =	simm.s32 @!p0 $0x5  }
0xd3: {  	_ =	swait.ge @!p0 [sflag:s0], s1  }
0xd4: {  	s1 =	ssub.s32 @!p0 $0x0, s1;
	[sflag:s0] =	ssyncset.done @!p0 $0x0  }
0xd5: {  	[sflag:s0] =	ssyncadd.s32 @!p0 s1  }
0xd6: {  	[bflag:$0x3] =	sbarrier.arrive $0xFFFF  }
0xd7: {  	_ =	shalt  }

</sc_bundles>
